<compile_context>
chip_gen: v7x
topology: tpu7x:2x2x1
jax: 0.10.2.dev20260603
libtpu: 0.0.44.dev20260713+nightly
codegen_flags: <defaults>
</compile_context>

<pallas_src>
import functools

import jax
import jax.numpy as jnp
from jax import lax
from jax.experimental import pallas as pl
from jax.experimental.pallas import tpu as pltpu
from jax.experimental.pallas import tpu_sc as plsc

D = 64
SEQ = 200
BATCH = 4096
NW = 32
CHUNK = 128
NTC = BATCH // CHUNK
NBUF = 4
LANES = 16


def _sc_body(xT_hbm, table_hbm, posp_hbm, out_hbm, *scratch):
    idx_v = scratch[0]
    pos_v = scratch[1]
    gbufs = scratch[2:2 + NBUF]
    sbufs = scratch[2 + NBUF:2 + 2 * NBUF]
    gsems = scratch[2 + 2 * NBUF:2 + 3 * NBUF]
    ssems = scratch[2 + 3 * NBUF:2 + 4 * NBUF]

    wid = lax.axis_index("c") * 16 + lax.axis_index("s")

    pltpu.sync_copy(xT_hbm.at[:, pl.ds(wid * CHUNK, CHUNK)], idx_v)
    pltpu.sync_copy(posp_hbm, pos_v.at[pl.ds(0, SEQ * D)])

    iota = lax.iota(jnp.int32, LANES)
    cvecs = [iota + (k * LANES) for k in range(CHUNK // LANES)]

    def gather(n, b):
        return pltpu.make_async_copy(
            table_hbm.at[idx_v.at[n]], gbufs[b], gsems[b])

    def scatter(n, b):
        return pltpu.make_async_copy(
            sbufs[b],
            out_hbm.at[pl.ds(n * (D // 8), D // 8), wid, :, :],
            ssems[b])

    for b in range(NBUF):
        gather(b, b).start()

    def outer(t, carry):
        for b in range(NBUF):
            n = t * NBUF + b
            gather(n, b).wait()

            @pl.when(t > 0)
            def _():
                scatter(n - NBUF, b).wait()

            pbase = lax.mul(n, D)

            def dloop(d, _, b=b, pbase=pbase):
                tr = lax.shift_right_logical(d, 3)
                rr = lax.bitwise_and(d, 7)
                pscal = pos_v[pl.ds(pbase + d, LANES)][0]
                dvec = jnp.broadcast_to(d, (LANES,)).astype(jnp.int32)
                for k in range(CHUNK // LANES):
                    val = plsc.load_gather(gbufs[b], [cvecs[k], dvec]) + pscal
                    sbufs[b][tr, rr, pl.ds(k * LANES, LANES)] = val
                return 0

            lax.fori_loop(0, D, dloop, 0)

            scatter(n, b).start()

            @pl.when(n + NBUF < SEQ)
            def _():
                gather(n + NBUF, b).start()
        return carry

    lax.fori_loop(0, SEQ // NBUF, outer, 0)

    for b in range(NBUF):
        scatter(SEQ - NBUF + b, b).wait()


_scratch = (
    [pltpu.VMEM((SEQ, CHUNK), jnp.int32),
     pltpu.VMEM((SEQ * D + LANES,), jnp.float32)]
    + [pltpu.VMEM((CHUNK, D), jnp.float32) for _ in range(NBUF)]
    + [pltpu.VMEM((D // 8, 8, CHUNK), jnp.float32) for _ in range(NBUF)]
    + [pltpu.SemaphoreType.DMA for _ in range(2 * NBUF)]
)

_sc_embed = functools.partial(
    pl.kernel,
    out_type=jax.ShapeDtypeStruct((SEQ * (D // 8), NTC, 8, CHUNK),
                                  jnp.float32),
    mesh=plsc.VectorSubcoreMesh(core_axis_name="c", subcore_axis_name="s"),
    scratch_types=_scratch,
    compiler_params=pltpu.CompilerParams(
        use_tc_tiling_on_sc=False, needs_layout_passes=False),
)(_sc_body)


def kernel(x, table, pos_embedding):
    B, N = x.shape
    xT = x.astype(jnp.int32).T
    posp = pos_embedding[0, :N, :].reshape(N * D)
    out4 = _sc_embed(xT, table, posp)
    return out4.transpose(1, 3, 0, 2).reshape(B, N, D)

# --- scband reference (transcript-rebuilt; emitter-appended) ---
"""Pipeline reference for scband-text-embed-65816078844266 (READ-ONLY COPY).

The authoritative reference and input builder live on the scoring server;
editing this copy changes nothing except your own understanding.
"""

import jax, jax.numpy as jnp
import numpy as np

VOCAB = 100000
EMBED_DIM = 64
MAX_LENGTH = 200
BATCH = 4096
SEQ = 200


def setup_inputs(seed: int = 0) -> dict:
    key = jax.random.key(seed)
    k_idx, k_tab, k_pos = jax.random.split(key, 3)
    x = jax.random.randint(k_idx, (BATCH, SEQ), 0, VOCAB, dtype=jnp.int64 if jax.config.jax_enable_x64 else jnp.int32)
    table = jax.random.normal(k_tab, (VOCAB, EMBED_DIM), dtype=jnp.float32)
    pos_embedding = jax.random.uniform(k_pos, (1, MAX_LENGTH, EMBED_DIM), dtype=jnp.float32)
    return {"x": x, "table": table, "pos_embedding": pos_embedding}


def reference(x, table, pos_embedding):
    B, N = x.shape
    emb = jnp.take(table, x, axis=0)  # [B, N, D] gather (embedding lookup)
    return emb + pos_embedding[:, :N, :]

if __name__ == "__main__":
    import jax
    _d = setup_inputs()
    print(jax.jit(kernel)(*tuple(_d.values())))

</pallas_src>

<mosaic_0001>
#map = affine_map<(d0, d1) -> (0, 0)>
#map1 = affine_map<(d0, d1) -> (0)>
#map2 = affine_map<(d0, d1) -> (0, 0, 0, 0)>
module attributes {stable_mosaic.version = 14 : i64} {
  func.func @_sc_body(%arg0: i32, %arg1: i32, %arg2: memref<200x4096xi32, #tpu.memory_space<hbm>>, %arg3: memref<100000x64xf32, #tpu.memory_space<hbm>>, %arg4: memref<12800xf32, #tpu.memory_space<hbm>>, %arg5: memref<1600x32x8x128xf32, #tpu.memory_space<hbm>>, %arg6: memref<200x128xi32, #tpu.memory_space<vmem>>, %arg7: memref<12816xf32, #tpu.memory_space<vmem>>, %arg8: memref<128x64xf32, #tpu.memory_space<vmem>>, %arg9: memref<128x64xf32, #tpu.memory_space<vmem>>, %arg10: memref<128x64xf32, #tpu.memory_space<vmem>>, %arg11: memref<128x64xf32, #tpu.memory_space<vmem>>, %arg12: memref<8x8x128xf32, #tpu.memory_space<vmem>>, %arg13: memref<8x8x128xf32, #tpu.memory_space<vmem>>, %arg14: memref<8x8x128xf32, #tpu.memory_space<vmem>>, %arg15: memref<8x8x128xf32, #tpu.memory_space<vmem>>, %arg16: memref<!tpu.dma_semaphore, #tpu.memory_space<semaphore_mem>>, %arg17: memref<!tpu.dma_semaphore, #tpu.memory_space<semaphore_mem>>, %arg18: memref<!tpu.dma_semaphore, #tpu.memory_space<semaphore_mem>>, %arg19: memref<!tpu.dma_semaphore, #tpu.memory_space<semaphore_mem>>, %arg20: memref<!tpu.dma_semaphore, #tpu.memory_space<semaphore_mem>>, %arg21: memref<!tpu.dma_semaphore, #tpu.memory_space<semaphore_mem>>, %arg22: memref<!tpu.dma_semaphore, #tpu.memory_space<semaphore_mem>>, %arg23: memref<!tpu.dma_semaphore, #tpu.memory_space<semaphore_mem>>) attributes {dimension_semantics = [#tpu.dimension_semantics<core_parallel>, #tpu.dimension_semantics<subcore_parallel>], iteration_bounds = array<i64: 2, 16>, scalar_prefetch = 0 : i64, scratch_operands = 18 : i64, tpu.core_type = #tpu.core_type<sc_vector_subcore>, window_params = [{transform_indices = #map}, {transform_indices = #map}, {transform_indices = #map1}, {transform_indices = #map2}]} {
    %mul3A = arith.constant 16 : i32
    %mul3A_0 = arith.muli %arg0, %mul3A : i32
    %add3A = arith.addi %mul3A_0, %arg1 : i32
    %mul3A_1 = arith.constant 128 : i32
    %mul3A_2 = arith.muli %add3A, %mul3A_1 : i32
    "tpu.region"() ({
      %run_scoped3A = tpu.sem_alloc : memref<!tpu.dma_semaphore, #tpu.memory_space<semaphore_mem>>
      %dma_start3A_98 = arith.constant 0 : i32
      %dma_start3A_99 = tpu.memref_slice %arg2[%dma_start3A_98, %mul3A_2] : memref<200x4096xi32, #tpu.memory_space<hbm>> -> memref<200x128xi32, #tpu.memory_space<hbm>>
      %dma_start3A_100 = arith.constant 0 : i32
      %dma_start3A_101 = tpu.memref_slice %arg2[%dma_start3A_100, %mul3A_2] : memref<200x4096xi32, #tpu.memory_space<hbm>> -> memref<200x128xi32, #tpu.memory_space<hbm>>
      tpu.enqueue_dma source(%dma_start3A_101 : memref<200x128xi32, #tpu.memory_space<hbm>>) target(%arg6 : memref<200x128xi32, #tpu.memory_space<vmem>>) target_semaphore(%run_scoped3A : memref<!tpu.dma_semaphore, #tpu.memory_space<semaphore_mem>>)
      %dma_wait3A_102 = arith.constant 0 : i32
      %dma_wait3A_103 = tpu.memref_slice %arg2[%dma_wait3A_102, %mul3A_2] : memref<200x4096xi32, #tpu.memory_space<hbm>> -> memref<200x128xi32, #tpu.memory_space<hbm>>
      %dma_wait3A_104 = arith.constant 0 : i32
      %dma_wait3A_105 = tpu.memref_slice %arg2[%dma_wait3A_104, %mul3A_2] : memref<200x4096xi32, #tpu.memory_space<hbm>> -> memref<200x128xi32, #tpu.memory_space<hbm>>
      tpu.wait_dma2 semaphore(%run_scoped3A : memref<!tpu.dma_semaphore, #tpu.memory_space<semaphore_mem>>) src(%dma_wait3A_105 : memref<200x128xi32, #tpu.memory_space<hbm>>) dst(%arg6 : memref<200x128xi32, #tpu.memory_space<vmem>>)
      tpu.yield
    }) : () -> ()
    "tpu.region"() ({
      %run_scoped3A = tpu.sem_alloc : memref<!tpu.dma_semaphore, #tpu.memory_space<semaphore_mem>>
      %dma_start3A_98 = arith.constant 0 : i32
      %dma_start3A_99 = tpu.memref_slice %arg7[%dma_start3A_98] : memref<12816xf32, #tpu.memory_space<vmem>> -> memref<12800xf32, #tpu.memory_space<vmem>>
      %dma_start3A_100 = arith.constant 0 : i32
      %dma_start3A_101 = tpu.memref_slice %arg7[%dma_start3A_100] : memref<12816xf32, #tpu.memory_space<vmem>> -> memref<12800xf32, #tpu.memory_space<vmem>>
      tpu.enqueue_dma source(%arg4 : memref<12800xf32, #tpu.memory_space<hbm>>) target(%dma_start3A_101 : memref<12800xf32, #tpu.memory_space<vmem>>) target_semaphore(%run_scoped3A : memref<!tpu.dma_semaphore, #tpu.memory_space<semaphore_mem>>)
      %dma_wait3A_102 = arith.constant 0 : i32
      %dma_wait3A_103 = tpu.memref_slice %arg7[%dma_wait3A_102] : memref<12816xf32, #tpu.memory_space<vmem>> -> memref<12800xf32, #tpu.memory_space<vmem>>
      %dma_wait3A_104 = arith.constant 0 : i32
      %dma_wait3A_105 = tpu.memref_slice %arg7[%dma_wait3A_104] : memref<12816xf32, #tpu.memory_space<vmem>> -> memref<12800xf32, #tpu.memory_space<vmem>>
      tpu.wait_dma2 semaphore(%run_scoped3A : memref<!tpu.dma_semaphore, #tpu.memory_space<semaphore_mem>>) src(%arg4 : memref<12800xf32, #tpu.memory_space<hbm>>) dst(%dma_wait3A_105 : memref<12800xf32, #tpu.memory_space<vmem>>)
      tpu.yield
    }) : () -> ()
    %iota3A = tpu.iota {dimensions = array<i32: 0>} : vector<16xi32>
    %add3A_3 = arith.constant 0 : i32
    %add3A_4 = vector.broadcast %add3A_3 : i32 to vector<16xi32>
    %add3A_5 = arith.addi %iota3A, %add3A_4 : vector<16xi32>
    %add3A_6 = arith.constant 16 : i32
    %add3A_7 = vector.broadcast %add3A_6 : i32 to vector<16xi32>
    %add3A_8 = arith.addi %iota3A, %add3A_7 : vector<16xi32>
    %add3A_9 = arith.constant 32 : i32
    %add3A_10 = vector.broadcast %add3A_9 : i32 to vector<16xi32>
    %add3A_11 = arith.addi %iota3A, %add3A_10 : vector<16xi32>
    %add3A_12 = arith.constant 48 : i32
    %add3A_13 = vector.broadcast %add3A_12 : i32 to vector<16xi32>
    %add3A_14 = arith.addi %iota3A, %add3A_13 : vector<16xi32>
    %add3A_15 = arith.constant 64 : i32
    %add3A_16 = vector.broadcast %add3A_15 : i32 to vector<16xi32>
    %add3A_17 = arith.addi %iota3A, %add3A_16 : vector<16xi32>
    %add3A_18 = arith.constant 80 : i32
    %add3A_19 = vector.broadcast %add3A_18 : i32 to vector<16xi32>
    %add3A_20 = arith.addi %iota3A, %add3A_19 : vector<16xi32>
    %add3A_21 = arith.constant 96 : i32
    %add3A_22 = vector.broadcast %add3A_21 : i32 to vector<16xi32>
    %add3A_23 = arith.addi %iota3A, %add3A_22 : vector<16xi32>
    %add3A_24 = arith.constant 112 : i32
    %add3A_25 = vector.broadcast %add3A_24 : i32 to vector<16xi32>
    %add3A_26 = arith.addi %iota3A, %add3A_25 : vector<16xi32>
    %dma_start3A = arith.constant 0 : i32
    %dma_start3A_27 = arith.constant 0 : i32
    %dma_start3A_28 = tpu.memref_slice %arg6[%dma_start3A, %dma_start3A_27] : memref<200x128xi32, #tpu.memory_space<vmem>> -> memref<1x128xi32, #tpu.memory_space<vmem>>
    %dma_start3A_29 = tpu.memref_squeeze %dma_start3A_28 : memref<1x128xi32, #tpu.memory_space<vmem>> -> memref<128xi32, #tpu.memory_space<vmem>>
    %dma_start3A_30 = arith.constant 0 : i32
    %dma_start3A_31 = arith.constant 0 : i32
    %dma_start3A_32 = tpu.memref_slice %arg3[%dma_start3A_30, %dma_start3A_31] : memref<100000x64xf32, #tpu.memory_space<hbm>> -> memref<100000x64xf32, #tpu.memory_space<hbm>>
    tpu.enqueue_indirect_dma source(%dma_start3A_32 : memref<100000x64xf32, #tpu.memory_space<hbm>>) target(%arg8 : memref<128x64xf32, #tpu.memory_space<vmem>>) offsets(%dma_start3A_29 : memref<128xi32, #tpu.memory_space<vmem>>) semaphore(%arg16 : memref<!tpu.dma_semaphore, #tpu.memory_space<semaphore_mem>>)
    %dma_start3A_33 = arith.constant 1 : i32
    %dma_start3A_34 = arith.constant 0 : i32
    %dma_start3A_35 = tpu.memref_slice %arg6[%dma_start3A_33, %dma_start3A_34] : memref<200x128xi32, #tpu.memory_space<vmem>> -> memref<1x128xi32, #tpu.memory_space<vmem>>
    %dma_start3A_36 = tpu.memref_squeeze %dma_start3A_35 : memref<1x128xi32, #tpu.memory_space<vmem>> -> memref<128xi32, #tpu.memory_space<vmem>>
    %dma_start3A_37 = arith.constant 0 : i32
    %dma_start3A_38 = arith.constant 0 : i32
    %dma_start3A_39 = tpu.memref_slice %arg3[%dma_start3A_37, %dma_start3A_38] : memref<100000x64xf32, #tpu.memory_space<hbm>> -> memref<100000x64xf32, #tpu.memory_space<hbm>>
    tpu.enqueue_indirect_dma source(%dma_start3A_39 : memref<100000x64xf32, #tpu.memory_space<hbm>>) target(%arg9 : memref<128x64xf32, #tpu.memory_space<vmem>>) offsets(%dma_start3A_36 : memref<128xi32, #tpu.memory_space<vmem>>) semaphore(%arg17 : memref<!tpu.dma_semaphore, #tpu.memory_space<semaphore_mem>>)
    %dma_start3A_40 = arith.constant 2 : i32
    %dma_start3A_41 = arith.constant 0 : i32
    %dma_start3A_42 = tpu.memref_slice %arg6[%dma_start3A_40, %dma_start3A_41] : memref<200x128xi32, #tpu.memory_space<vmem>> -> memref<1x128xi32, #tpu.memory_space<vmem>>
    %dma_start3A_43 = tpu.memref_squeeze %dma_start3A_42 : memref<1x128xi32, #tpu.memory_space<vmem>> -> memref<128xi32, #tpu.memory_space<vmem>>
    %dma_start3A_44 = arith.constant 0 : i32
    %dma_start3A_45 = arith.constant 0 : i32
    %dma_start3A_46 = tpu.memref_slice %arg3[%dma_start3A_44, %dma_start3A_45] : memref<100000x64xf32, #tpu.memory_space<hbm>> -> memref<100000x64xf32, #tpu.memory_space<hbm>>
    tpu.enqueue_indirect_dma source(%dma_start3A_46 : memref<100000x64xf32, #tpu.memory_space<hbm>>) target(%arg10 : memref<128x64xf32, #tpu.memory_space<vmem>>) offsets(%dma_start3A_43 : memref<128xi32, #tpu.memory_space<vmem>>) semaphore(%arg18 : memref<!tpu.dma_semaphore, #tpu.memory_space<semaphore_mem>>)
    %dma_start3A_47 = arith.constant 3 : i32
    %dma_start3A_48 = arith.constant 0 : i32
    %dma_start3A_49 = tpu.memref_slice %arg6[%dma_start3A_47, %dma_start3A_48] : memref<200x128xi32, #tpu.memory_space<vmem>> -> memref<1x128xi32, #tpu.memory_space<vmem>>
    %dma_start3A_50 = tpu.memref_squeeze %dma_start3A_49 : memref<1x128xi32, #tpu.memory_space<vmem>> -> memref<128xi32, #tpu.memory_space<vmem>>
    %dma_start3A_51 = arith.constant 0 : i32
    %dma_start3A_52 = arith.constant 0 : i32
    %dma_start3A_53 = tpu.memref_slice %arg3[%dma_start3A_51, %dma_start3A_52] : memref<100000x64xf32, #tpu.memory_space<hbm>> -> memref<100000x64xf32, #tpu.memory_space<hbm>>
    tpu.enqueue_indirect_dma source(%dma_start3A_53 : memref<100000x64xf32, #tpu.memory_space<hbm>>) target(%arg11 : memref<128x64xf32, #tpu.memory_space<vmem>>) offsets(%dma_start3A_50 : memref<128xi32, #tpu.memory_space<vmem>>) semaphore(%arg19 : memref<!tpu.dma_semaphore, #tpu.memory_space<semaphore_mem>>)
    %scan3A = arith.constant 0 : i32
    %scan3A_54 = arith.constant 0 : i32
    %scan3A_55 = arith.constant 50 : i32
    %scan3A_56 = arith.addi %scan3A_54, %scan3A_55 : i32
    %scan3A_57 = arith.constant 1 : i32
    scf.for %scan3A_98 = %scan3A_54 to %scan3A_56 step %scan3A_57  : i32 {
      %mul3A_99 = arith.constant 4 : i32
      %mul3A_100 = arith.muli %scan3A_98, %mul3A_99 : i32
      %add3A_101 = arith.constant 0 : i32
      %add3A_102 = arith.addi %mul3A_100, %add3A_101 : i32
      %dma_wait3A_103 = arith.constant 0 : i32
      %dma_wait3A_104 = tpu.memref_slice %arg6[%add3A_102, %dma_wait3A_103] : memref<200x128xi32, #tpu.memory_space<vmem>> -> memref<1x128xi32, #tpu.memory_space<vmem>>
      %dma_wait3A_105 = tpu.memref_squeeze %dma_wait3A_104 : memref<1x128xi32, #tpu.memory_space<vmem>> -> memref<128xi32, #tpu.memory_space<vmem>>
      %dma_wait3A_106 = arith.constant 0 : i32
      %dma_wait3A_107 = arith.constant 0 : i32
      %dma_wait3A_108 = tpu.memref_slice %arg3[%dma_wait3A_106, %dma_wait3A_107] : memref<100000x64xf32, #tpu.memory_space<hbm>> -> memref<100000x64xf32, #tpu.memory_space<hbm>>
      tpu.wait_indirect_dma semaphore(%arg16 : memref<!tpu.dma_semaphore, #tpu.memory_space<semaphore_mem>>) src(%dma_wait3A_108 : memref<100000x64xf32, #tpu.memory_space<hbm>>) dst(%arg8 : memref<128x64xf32, #tpu.memory_space<vmem>>)
      %gt3A = arith.constant 0 : i32
      %gt3A_109 = arith.cmpi sgt, %scan3A_98, %gt3A : i32
      %convert_element_type3A = arith.extui %gt3A_109 : i1 to i32
      %cond3A = arith.constant 0 : i32
      %cond3A_110 = arith.cmpi ne, %convert_element_type3A, %cond3A : i32
      scf.if %cond3A_110 {
        %sub3A = arith.constant 4 : i32
        %sub3A_259 = arith.subi %add3A_102, %sub3A : i32
        %mul3A_260 = arith.constant 8 : i32
        %mul3A_261 = arith.muli %sub3A_259, %mul3A_260 : i32
        %dma_wait3A_262 = arith.constant 0 : i32
        %dma_wait3A_263 = arith.constant 0 : i32
        %dma_wait3A_264 = tpu.memref_slice %arg5[%mul3A_261, %add3A, %dma_wait3A_262, %dma_wait3A_263] : memref<1600x32x8x128xf32, #tpu.memory_space<hbm>> -> memref<8x1x8x128xf32, #tpu.memory_space<hbm>>
        %dma_wait3A_265 = tpu.memref_squeeze %dma_wait3A_264 : memref<8x1x8x128xf32, #tpu.memory_space<hbm>> -> memref<8x8x128xf32, #tpu.memory_space<hbm>>
        %dma_wait3A_266 = arith.constant 0 : i32
        %dma_wait3A_267 = arith.constant 0 : i32
        %dma_wait3A_268 = tpu.memref_slice %arg5[%mul3A_261, %add3A, %dma_wait3A_266, %dma_wait3A_267] : memref<1600x32x8x128xf32, #tpu.memory_space<hbm>> -> memref<8x1x8x128xf32, #tpu.memory_space<hbm>>
        %dma_wait3A_269 = tpu.memref_squeeze %dma_wait3A_268 : memref<8x1x8x128xf32, #tpu.memory_space<hbm>> -> memref<8x8x128xf32, #tpu.memory_space<hbm>>
        tpu.wait_dma2 semaphore(%arg20 : memref<!tpu.dma_semaphore, #tpu.memory_space<semaphore_mem>>) src(%arg12 : memref<8x8x128xf32, #tpu.memory_space<vmem>>) dst(%dma_wait3A_269 : memref<8x8x128xf32, #tpu.memory_space<hbm>>)
      } else {
      }
      %mul3A_111 = arith.constant 64 : i32
      %mul3A_112 = arith.muli %add3A_102, %mul3A_111 : i32
      %scan3A_113 = arith.constant 0 : i32
      %scan3A_114 = arith.constant 0 : i32
      %scan3A_115 = arith.constant 64 : i32
      %scan3A_116 = arith.addi %scan3A_114, %scan3A_115 : i32
      %scan3A_117 = arith.constant 1 : i32
      %scan3A_118 = scf.for %scan3A_259 = %scan3A_114 to %scan3A_116 step %scan3A_117 iter_args(%scan3A_260 = %scan3A_113) -> (i32)  : i32 {
        %shift_right_logical3A = arith.constant 3 : i32
        %shift_right_logical3A_261 = arith.shrui %scan3A_259, %shift_right_logical3A : i32
        %and3A = arith.constant 7 : i32
        %and3A_262 = arith.andi %scan3A_259, %and3A : i32
        %add3A_263 = arith.addi %mul3A_112, %scan3A_259 : i32
        %get3A = arith.index_cast %add3A_263 : i32 to index
        %get3A_264 = tpu.vector_load %arg7[%get3A] {strides = array<i32>} : memref<12816xf32, #tpu.memory_space<vmem>>, vector<16xf32>,
        %slice3A = vector.extract_strided_slice %get3A_264 {offsets = [0], sizes = [1], strides = [1]} : vector<16xf32> to vector<1xf32>
        %squeeze3A = vector.extract %slice3A[0] : f32 from vector<1xf32>
        %broadcast_in_dim3A = vector.broadcast %scan3A_259 : i32 to vector<16xi32>
        %gather3A = tpu.vector_load_idx %arg8[%add3A_5, %broadcast_in_dim3A] : memref<128x64xf32, #tpu.memory_space<vmem>>[vector<16xi32>, vector<16xi32>], vector<16xf32>,
        %add3A_265 = vector.broadcast %squeeze3A : f32 to vector<16xf32>
        %add3A_266 = arith.addf %gather3A, %add3A_265 : vector<16xf32>
        %swap3A = arith.index_cast %shift_right_logical3A_261 : i32 to index
        %swap3A_267 = arith.index_cast %and3A_262 : i32 to index
        %swap3A_268 = arith.constant 0 : index
        %swap3A_269 = tpu.vector_load %arg12[%swap3A, %swap3A_267, %swap3A_268] {strides = array<i32>} : memref<8x8x128xf32, #tpu.memory_space<vmem>>, vector<16xf32>,
        tpu.vector_store %arg12[%swap3A, %swap3A_267, %swap3A_268], %add3A_266 {strides = array<i32>} : memref<8x8x128xf32, #tpu.memory_space<vmem>>, vector<16xf32>,
        %gather3A_270 = tpu.vector_load_idx %arg8[%add3A_8, %broadcast_in_dim3A] : memref<128x64xf32, #tpu.memory_space<vmem>>[vector<16xi32>, vector<16xi32>], vector<16xf32>,
        %add3A_271 = vector.broadcast %squeeze3A : f32 to vector<16xf32>
        %add3A_272 = arith.addf %gather3A_270, %add3A_271 : vector<16xf32>
        %swap3A_273 = arith.index_cast %shift_right_logical3A_261 : i32 to index
        %swap3A_274 = arith.index_cast %and3A_262 : i32 to index
        %swap3A_275 = arith.constant 16 : index
        %swap3A_276 = tpu.vector_load %arg12[%swap3A_273, %swap3A_274, %swap3A_275] {strides = array<i32>} : memref<8x8x128xf32, #tpu.memory_space<vmem>>, vector<16xf32>,
        tpu.vector_store %arg12[%swap3A_273, %swap3A_274, %swap3A_275], %add3A_272 {strides = array<i32>} : memref<8x8x128xf32, #tpu.memory_space<vmem>>, vector<16xf32>,
        %gather3A_277 = tpu.vector_load_idx %arg8[%add3A_11, %broadcast_in_dim3A] : memref<128x64xf32, #tpu.memory_space<vmem>>[vector<16xi32>, vector<16xi32>], vector<16xf32>,
        %add3A_278 = vector.broadcast %squeeze3A : f32 to vector<16xf32>
        %add3A_279 = arith.addf %gather3A_277, %add3A_278 : vector<16xf32>
        %swap3A_280 = arith.index_cast %shift_right_logical3A_261 : i32 to index
        %swap3A_281 = arith.index_cast %and3A_262 : i32 to index
        %swap3A_282 = arith.constant 32 : index
        %swap3A_283 = tpu.vector_load %arg12[%swap3A_280, %swap3A_281, %swap3A_282] {strides = array<i32>} : memref<8x8x128xf32, #tpu.memory_space<vmem>>, vector<16xf32>,
        tpu.vector_store %arg12[%swap3A_280, %swap3A_281, %swap3A_282], %add3A_279 {strides = array<i32>} : memref<8x8x128xf32, #tpu.memory_space<vmem>>, vector<16xf32>,
        %gather3A_284 = tpu.vector_load_idx %arg8[%add3A_14, %broadcast_in_dim3A] : memref<128x64xf32, #tpu.memory_space<vmem>>[vector<16xi32>, vector<16xi32>], vector<16xf32>,
        %add3A_285 = vector.broadcast %squeeze3A : f32 to vector<16xf32>
        %add3A_286 = arith.addf %gather3A_284, %add3A_285 : vector<16xf32>
        %swap3A_287 = arith.index_cast %shift_right_logical3A_261 : i32 to index
        %swap3A_288 = arith.index_cast %and3A_262 : i32 to index
        %swap3A_289 = arith.constant 48 : index
        %swap3A_290 = tpu.vector_load %arg12[%swap3A_287, %swap3A_288, %swap3A_289] {strides = array<i32>} : memref<8x8x128xf32, #tpu.memory_space<vmem>>, vector<16xf32>,
        tpu.vector_store %arg12[%swap3A_287, %swap3A_288, %swap3A_289], %add3A_286 {strides = array<i32>} : memref<8x8x128xf32, #tpu.memory_space<vmem>>, vector<16xf32>,
        %gather3A_291 = tpu.vector_load_idx %arg8[%add3A_17, %broadcast_in_dim3A] : memref<128x64xf32, #tpu.memory_space<vmem>>[vector<16xi32>, vector<16xi32>], vector<16xf32>,
        %add3A_292 = vector.broadcast %squeeze3A : f32 to vector<16xf32>
        %add3A_293 = arith.addf %gather3A_291, %add3A_292 : vector<16xf32>
        %swap3A_294 = arith.index_cast %shift_right_logical3A_261 : i32 to index
        %swap3A_295 = arith.index_cast %and3A_262 : i32 to index
        %swap3A_296 = arith.constant 64 : index
        %swap3A_297 = tpu.vector_load %arg12[%swap3A_294, %swap3A_295, %swap3A_296] {strides = array<i32>} : memref<8x8x128xf32, #tpu.memory_space<vmem>>, vector<16xf32>,
        tpu.vector_store %arg12[%swap3A_294, %swap3A_295, %swap3A_296], %add3A_293 {strides = array<i32>} : memref<8x8x128xf32, #tpu.memory_space<vmem>>, vector<16xf32>,
        %gather3A_298 = tpu.vector_load_idx %arg8[%add3A_20, %broadcast_in_dim3A] : memref<128x64xf32, #tpu.memory_space<vmem>>[vector<16xi32>, vector<16xi32>], vector<16xf32>,
        %add3A_299 = vector.broadcast %squeeze3A : f32 to vector<16xf32>
        %add3A_300 = arith.addf %gather3A_298, %add3A_299 : vector<16xf32>
        %swap3A_301 = arith.index_cast %shift_right_logical3A_261 : i32 to index
        %swap3A_302 = arith.index_cast %and3A_262 : i32 to index
        %swap3A_303 = arith.constant 80 : index
        %swap3A_304 = tpu.vector_load %arg12[%swap3A_301, %swap3A_302, %swap3A_303] {strides = array<i32>} : memref<8x8x128xf32, #tpu.memory_space<vmem>>, vector<16xf32>,
        tpu.vector_store %arg12[%swap3A_301, %swap3A_302, %swap3A_303], %add3A_300 {strides = array<i32>} : memref<8x8x128xf32, #tpu.memory_space<vmem>>, vector<16xf32>,
        %gather3A_305 = tpu.vector_load_idx %arg8[%add3A_23, %broadcast_in_dim3A] : memref<128x64xf32, #tpu.memory_space<vmem>>[vector<16xi32>, vector<16xi32>], vector<16xf32>,
        %add3A_306 = vector.broadcast %squeeze3A : f32 to vector<16xf32>
        %add3A_307 = arith.addf %gather3A_305, %add3A_306 : vector<16xf32>
        %swap3A_308 = arith.index_cast %shift_right_logical3A_261 : i32 to index
        %swap3A_309 = arith.index_cast %and3A_262 : i32 to index
        %swap3A_310 = arith.constant 96 : index
        %swap3A_311 = tpu.vector_load %arg12[%swap3A_308, %swap3A_309, %swap3A_310] {strides = array<i32>} : memref<8x8x128xf32, #tpu.memory_space<vmem>>, vector<16xf32>,
        tpu.vector_store %arg12[%swap3A_308, %swap3A_309, %swap3A_310], %add3A_307 {strides = array<i32>} : memref<8x8x128xf32, #tpu.memory_space<vmem>>, vector<16xf32>,
        %gather3A_312 = tpu.vector_load_idx %arg8[%add3A_26, %broadcast_in_dim3A] : memref<128x64xf32, #tpu.memory_space<vmem>>[vector<16xi32>, vector<16xi32>], vector<16xf32>,
        %add3A_313 = vector.broadcast %squeeze3A : f32 to vector<16xf32>
        %add3A_314 = arith.addf %gather3A_312, %add3A_313 : vector<16xf32>
        %swap3A_315 = arith.index_cast %shift_right_logical3A_261 : i32 to index
        %swap3A_316 = arith.index_cast %and3A_262 : i32 to index
        %swap3A_317 = arith.constant 112 : index
        %swap3A_318 = tpu.vector_load %arg12[%swap3A_315, %swap3A_316, %swap3A_317] {strides = array<i32>} : memref<8x8x128xf32, #tpu.memory_space<vmem>>, vector<16xf32>,
        tpu.vector_store %arg12[%swap3A_315, %swap3A_316, %swap3A_317], %add3A_314 {strides = array<i32>} : memref<8x8x128xf32, #tpu.memory_space<vmem>>, vector<16xf32>,
        %scan3A_319 = arith.constant 0 : i32
        scf.yield %scan3A_319 : i32
      }
      %scan3A_119 = arith.constant 64 : i32
      %mul3A_120 = arith.constant 8 : i32
      %mul3A_121 = arith.muli %add3A_102, %mul3A_120 : i32
      %dma_start3A_122 = arith.constant 0 : i32
      %dma_start3A_123 = arith.constant 0 : i32
      %dma_start3A_124 = tpu.memref_slice %arg5[%mul3A_121, %add3A, %dma_start3A_122, %dma_start3A_123] : memref<1600x32x8x128xf32, #tpu.memory_space<hbm>> -> memref<8x1x8x128xf32, #tpu.memory_space<hbm>>
      %dma_start3A_125 = tpu.memref_squeeze %dma_start3A_124 : memref<8x1x8x128xf32, #tpu.memory_space<hbm>> -> memref<8x8x128xf32, #tpu.memory_space<hbm>>
      %dma_start3A_126 = arith.constant 0 : i32
      %dma_start3A_127 = arith.constant 0 : i32
      %dma_start3A_128 = tpu.memref_slice %arg5[%mul3A_121, %add3A, %dma_start3A_126, %dma_start3A_127] : memref<1600x32x8x128xf32, #tpu.memory_space<hbm>> -> memref<8x1x8x128xf32, #tpu.memory_space<hbm>>
      %dma_start3A_129 = tpu.memref_squeeze %dma_start3A_128 : memref<8x1x8x128xf32, #tpu.memory_space<hbm>> -> memref<8x8x128xf32, #tpu.memory_space<hbm>>
      tpu.enqueue_dma source(%arg12 : memref<8x8x128xf32, #tpu.memory_space<vmem>>) target(%dma_start3A_129 : memref<8x8x128xf32, #tpu.memory_space<hbm>>) target_semaphore(%arg20 : memref<!tpu.dma_semaphore, #tpu.memory_space<semaphore_mem>>)
      %add3A_130 = arith.constant 4 : i32
      %add3A_131 = arith.addi %add3A_102, %add3A_130 : i32
      %lt3A = arith.constant 200 : i32
      %lt3A_132 = arith.cmpi slt, %add3A_131, %lt3A : i32
      %convert_element_type3A_133 = arith.extui %lt3A_132 : i1 to i32
      %cond3A_134 = arith.constant 0 : i32
      %cond3A_135 = arith.cmpi ne, %convert_element_type3A_133, %cond3A_134 : i32
      scf.if %cond3A_135 {
        %add3A_259 = arith.constant 4 : i32
        %add3A_260 = arith.addi %add3A_102, %add3A_259 : i32
        %dma_start3A_261 = arith.constant 0 : i32
        %dma_start3A_262 = tpu.memref_slice %arg6[%add3A_260, %dma_start3A_261] : memref<200x128xi32, #tpu.memory_space<vmem>> -> memref<1x128xi32, #tpu.memory_space<vmem>>
        %dma_start3A_263 = tpu.memref_squeeze %dma_start3A_262 : memref<1x128xi32, #tpu.memory_space<vmem>> -> memref<128xi32, #tpu.memory_space<vmem>>
        %dma_start3A_264 = arith.constant 0 : i32
        %dma_start3A_265 = arith.constant 0 : i32
        %dma_start3A_266 = tpu.memref_slice %arg3[%dma_start3A_264, %dma_start3A_265] : memref<100000x64xf32, #tpu.memory_space<hbm>> -> memref<100000x64xf32, #tpu.memory_space<hbm>>
        tpu.enqueue_indirect_dma source(%dma_start3A_266 : memref<100000x64xf32, #tpu.memory_space<hbm>>) target(%arg8 : memref<128x64xf32, #tpu.memory_space<vmem>>) offsets(%dma_start3A_263 : memref<128xi32, #tpu.memory_space<vmem>>) semaphore(%arg16 : memref<!tpu.dma_semaphore, #tpu.memory_space<semaphore_mem>>)
      } else {
      }
      %mul3A_136 = arith.constant 4 : i32
      %mul3A_137 = arith.muli %scan3A_98, %mul3A_136 : i32
      %add3A_138 = arith.constant 1 : i32
      %add3A_139 = arith.addi %mul3A_137, %add3A_138 : i32
      %dma_wait3A_140 = arith.constant 0 : i32
      %dma_wait3A_141 = tpu.memref_slice %arg6[%add3A_139, %dma_wait3A_140] : memref<200x128xi32, #tpu.memory_space<vmem>> -> memref<1x128xi32, #tpu.memory_space<vmem>>
      %dma_wait3A_142 = tpu.memref_squeeze %dma_wait3A_141 : memref<1x128xi32, #tpu.memory_space<vmem>> -> memref<128xi32, #tpu.memory_space<vmem>>
      %dma_wait3A_143 = arith.constant 0 : i32
      %dma_wait3A_144 = arith.constant 0 : i32
      %dma_wait3A_145 = tpu.memref_slice %arg3[%dma_wait3A_143, %dma_wait3A_144] : memref<100000x64xf32, #tpu.memory_space<hbm>> -> memref<100000x64xf32, #tpu.memory_space<hbm>>
      tpu.wait_indirect_dma semaphore(%arg17 : memref<!tpu.dma_semaphore, #tpu.memory_space<semaphore_mem>>) src(%dma_wait3A_145 : memref<100000x64xf32, #tpu.memory_space<hbm>>) dst(%arg9 : memref<128x64xf32, #tpu.memory_space<vmem>>)
      %gt3A_146 = arith.constant 0 : i32
      %gt3A_147 = arith.cmpi sgt, %scan3A_98, %gt3A_146 : i32
      %convert_element_type3A_148 = arith.extui %gt3A_147 : i1 to i32
      %cond3A_149 = arith.constant 0 : i32
      %cond3A_150 = arith.cmpi ne, %convert_element_type3A_148, %cond3A_149 : i32
      scf.if %cond3A_150 {
        %sub3A = arith.constant 4 : i32
        %sub3A_259 = arith.subi %add3A_139, %sub3A : i32
        %mul3A_260 = arith.constant 8 : i32
        %mul3A_261 = arith.muli %sub3A_259, %mul3A_260 : i32
        %dma_wait3A_262 = arith.constant 0 : i32
        %dma_wait3A_263 = arith.constant 0 : i32
        %dma_wait3A_264 = tpu.memref_slice %arg5[%mul3A_261, %add3A, %dma_wait3A_262, %dma_wait3A_263] : memref<1600x32x8x128xf32, #tpu.memory_space<hbm>> -> memref<8x1x8x128xf32, #tpu.memory_space<hbm>>
        %dma_wait3A_265 = tpu.memref_squeeze %dma_wait3A_264 : memref<8x1x8x128xf32, #tpu.memory_space<hbm>> -> memref<8x8x128xf32, #tpu.memory_space<hbm>>
        %dma_wait3A_266 = arith.constant 0 : i32
        %dma_wait3A_267 = arith.constant 0 : i32
        %dma_wait3A_268 = tpu.memref_slice %arg5[%mul3A_261, %add3A, %dma_wait3A_266, %dma_wait3A_267] : memref<1600x32x8x128xf32, #tpu.memory_space<hbm>> -> memref<8x1x8x128xf32, #tpu.memory_space<hbm>>
        %dma_wait3A_269 = tpu.memref_squeeze %dma_wait3A_268 : memref<8x1x8x128xf32, #tpu.memory_space<hbm>> -> memref<8x8x128xf32, #tpu.memory_space<hbm>>
        tpu.wait_dma2 semaphore(%arg21 : memref<!tpu.dma_semaphore, #tpu.memory_space<semaphore_mem>>) src(%arg13 : memref<8x8x128xf32, #tpu.memory_space<vmem>>) dst(%dma_wait3A_269 : memref<8x8x128xf32, #tpu.memory_space<hbm>>)
      } else {
      }
      %mul3A_151 = arith.constant 64 : i32
      %mul3A_152 = arith.muli %add3A_139, %mul3A_151 : i32
      %scan3A_153 = arith.constant 0 : i32
      %scan3A_154 = arith.constant 0 : i32
      %scan3A_155 = arith.constant 64 : i32
      %scan3A_156 = arith.addi %scan3A_154, %scan3A_155 : i32
      %scan3A_157 = arith.constant 1 : i32
      %scan3A_158 = scf.for %scan3A_259 = %scan3A_154 to %scan3A_156 step %scan3A_157 iter_args(%scan3A_260 = %scan3A_153) -> (i32)  : i32 {
        %shift_right_logical3A = arith.constant 3 : i32
        %shift_right_logical3A_261 = arith.shrui %scan3A_259, %shift_right_logical3A : i32
        %and3A = arith.constant 7 : i32
        %and3A_262 = arith.andi %scan3A_259, %and3A : i32
        %add3A_263 = arith.addi %mul3A_152, %scan3A_259 : i32
        %get3A = arith.index_cast %add3A_263 : i32 to index
        %get3A_264 = tpu.vector_load %arg7[%get3A] {strides = array<i32>} : memref<12816xf32, #tpu.memory_space<vmem>>, vector<16xf32>,
        %slice3A = vector.extract_strided_slice %get3A_264 {offsets = [0], sizes = [1], strides = [1]} : vector<16xf32> to vector<1xf32>
        %squeeze3A = vector.extract %slice3A[0] : f32 from vector<1xf32>
        %broadcast_in_dim3A = vector.broadcast %scan3A_259 : i32 to vector<16xi32>
        %gather3A = tpu.vector_load_idx %arg9[%add3A_5, %broadcast_in_dim3A] : memref<128x64xf32, #tpu.memory_space<vmem>>[vector<16xi32>, vector<16xi32>], vector<16xf32>,
        %add3A_265 = vector.broadcast %squeeze3A : f32 to vector<16xf32>
        %add3A_266 = arith.addf %gather3A, %add3A_265 : vector<16xf32>
        %swap3A = arith.index_cast %shift_right_logical3A_261 : i32 to index
        %swap3A_267 = arith.index_cast %and3A_262 : i32 to index
        %swap3A_268 = arith.constant 0 : index
        %swap3A_269 = tpu.vector_load %arg13[%swap3A, %swap3A_267, %swap3A_268] {strides = array<i32>} : memref<8x8x128xf32, #tpu.memory_space<vmem>>, vector<16xf32>,
        tpu.vector_store %arg13[%swap3A, %swap3A_267, %swap3A_268], %add3A_266 {strides = array<i32>} : memref<8x8x128xf32, #tpu.memory_space<vmem>>, vector<16xf32>,
        %gather3A_270 = tpu.vector_load_idx %arg9[%add3A_8, %broadcast_in_dim3A] : memref<128x64xf32, #tpu.memory_space<vmem>>[vector<16xi32>, vector<16xi32>], vector<16xf32>,
        %add3A_271 = vector.broadcast %squeeze3A : f32 to vector<16xf32>
        %add3A_272 = arith.addf %gather3A_270, %add3A_271 : vector<16xf32>
        %swap3A_273 = arith.index_cast %shift_right_logical3A_261 : i32 to index
        %swap3A_274 = arith.index_cast %and3A_262 : i32 to index
        %swap3A_275 = arith.constant 16 : index
        %swap3A_276 = tpu.vector_load %arg13[%swap3A_273, %swap3A_274, %swap3A_275] {strides = array<i32>} : memref<8x8x128xf32, #tpu.memory_space<vmem>>, vector<16xf32>,
        tpu.vector_store %arg13[%swap3A_273, %swap3A_274, %swap3A_275], %add3A_272 {strides = array<i32>} : memref<8x8x128xf32, #tpu.memory_space<vmem>>, vector<16xf32>,
        %gather3A_277 = tpu.vector_load_idx %arg9[%add3A_11, %broadcast_in_dim3A] : memref<128x64xf32, #tpu.memory_space<vmem>>[vector<16xi32>, vector<16xi32>], vector<16xf32>,
        %add3A_278 = vector.broadcast %squeeze3A : f32 to vector<16xf32>
        %add3A_279 = arith.addf %gather3A_277, %add3A_278 : vector<16xf32>
        %swap3A_280 = arith.index_cast %shift_right_logical3A_261 : i32 to index
        %swap3A_281 = arith.index_cast %and3A_262 : i32 to index
        %swap3A_282 = arith.constant 32 : index
        %swap3A_283 = tpu.vector_load %arg13[%swap3A_280, %swap3A_281, %swap3A_282] {strides = array<i32>} : memref<8x8x128xf32, #tpu.memory_space<vmem>>, vector<16xf32>,
        tpu.vector_store %arg13[%swap3A_280, %swap3A_281, %swap3A_282], %add3A_279 {strides = array<i32>} : memref<8x8x128xf32, #tpu.memory_space<vmem>>, vector<16xf32>,
        %gather3A_284 = tpu.vector_load_idx %arg9[%add3A_14, %broadcast_in_dim3A] : memref<128x64xf32, #tpu.memory_space<vmem>>[vector<16xi32>, vector<16xi32>], vector<16xf32>,
        %add3A_285 = vector.broadcast %squeeze3A : f32 to vector<16xf32>
        %add3A_286 = arith.addf %gather3A_284, %add3A_285 : vector<16xf32>
        %swap3A_287 = arith.index_cast %shift_right_logical3A_261 : i32 to index
        %swap3A_288 = arith.index_cast %and3A_262 : i32 to index
        %swap3A_289 = arith.constant 48 : index
        %swap3A_290 = tpu.vector_load %arg13[%swap3A_287, %swap3A_288, %swap3A_289] {strides = array<i32>} : memref<8x8x128xf32, #tpu.memory_space<vmem>>, vector<16xf32>,
        tpu.vector_store %arg13[%swap3A_287, %swap3A_288, %swap3A_289], %add3A_286 {strides = array<i32>} : memref<8x8x128xf32, #tpu.memory_space<vmem>>, vector<16xf32>,
        %gather3A_291 = tpu.vector_load_idx %arg9[%add3A_17, %broadcast_in_dim3A] : memref<128x64xf32, #tpu.memory_space<vmem>>[vector<16xi32>, vector<16xi32>], vector<16xf32>,
        %add3A_292 = vector.broadcast %squeeze3A : f32 to vector<16xf32>
        %add3A_293 = arith.addf %gather3A_291, %add3A_292 : vector<16xf32>
        %swap3A_294 = arith.index_cast %shift_right_logical3A_261 : i32 to index
        %swap3A_295 = arith.index_cast %and3A_262 : i32 to index
        %swap3A_296 = arith.constant 64 : index
        %swap3A_297 = tpu.vector_load %arg13[%swap3A_294, %swap3A_295, %swap3A_296] {strides = array<i32>} : memref<8x8x128xf32, #tpu.memory_space<vmem>>, vector<16xf32>,
        tpu.vector_store %arg13[%swap3A_294, %swap3A_295, %swap3A_296], %add3A_293 {strides = array<i32>} : memref<8x8x128xf32, #tpu.memory_space<vmem>>, vector<16xf32>,
        %gather3A_298 = tpu.vector_load_idx %arg9[%add3A_20, %broadcast_in_dim3A] : memref<128x64xf32, #tpu.memory_space<vmem>>[vector<16xi32>, vector<16xi32>], vector<16xf32>,
        %add3A_299 = vector.broadcast %squeeze3A : f32 to vector<16xf32>
        %add3A_300 = arith.addf %gather3A_298, %add3A_299 : vector<16xf32>
        %swap3A_301 = arith.index_cast %shift_right_logical3A_261 : i32 to index
        %swap3A_302 = arith.index_cast %and3A_262 : i32 to index
        %swap3A_303 = arith.constant 80 : index
        %swap3A_304 = tpu.vector_load %arg13[%swap3A_301, %swap3A_302, %swap3A_303] {strides = array<i32>} : memref<8x8x128xf32, #tpu.memory_space<vmem>>, vector<16xf32>,
        tpu.vector_store %arg13[%swap3A_301, %swap3A_302, %swap3A_303], %add3A_300 {strides = array<i32>} : memref<8x8x128xf32, #tpu.memory_space<vmem>>, vector<16xf32>,
        %gather3A_305 = tpu.vector_load_idx %arg9[%add3A_23, %broadcast_in_dim3A] : memref<128x64xf32, #tpu.memory_space<vmem>>[vector<16xi32>, vector<16xi32>], vector<16xf32>,
        %add3A_306 = vector.broadcast %squeeze3A : f32 to vector<16xf32>
        %add3A_307 = arith.addf %gather3A_305, %add3A_306 : vector<16xf32>
        %swap3A_308 = arith.index_cast %shift_right_logical3A_261 : i32 to index
        %swap3A_309 = arith.index_cast %and3A_262 : i32 to index
        %swap3A_310 = arith.constant 96 : index
        %swap3A_311 = tpu.vector_load %arg13[%swap3A_308, %swap3A_309, %swap3A_310] {strides = array<i32>} : memref<8x8x128xf32, #tpu.memory_space<vmem>>, vector<16xf32>,
        tpu.vector_store %arg13[%swap3A_308, %swap3A_309, %swap3A_310], %add3A_307 {strides = array<i32>} : memref<8x8x128xf32, #tpu.memory_space<vmem>>, vector<16xf32>,
        %gather3A_312 = tpu.vector_load_idx %arg9[%add3A_26, %broadcast_in_dim3A] : memref<128x64xf32, #tpu.memory_space<vmem>>[vector<16xi32>, vector<16xi32>], vector<16xf32>,
        %add3A_313 = vector.broadcast %squeeze3A : f32 to vector<16xf32>
        %add3A_314 = arith.addf %gather3A_312, %add3A_313 : vector<16xf32>
        %swap3A_315 = arith.index_cast %shift_right_logical3A_261 : i32 to index
        %swap3A_316 = arith.index_cast %and3A_262 : i32 to index
        %swap3A_317 = arith.constant 112 : index
        %swap3A_318 = tpu.vector_load %arg13[%swap3A_315, %swap3A_316, %swap3A_317] {strides = array<i32>} : memref<8x8x128xf32, #tpu.memory_space<vmem>>, vector<16xf32>,
        tpu.vector_store %arg13[%swap3A_315, %swap3A_316, %swap3A_317], %add3A_314 {strides = array<i32>} : memref<8x8x128xf32, #tpu.memory_space<vmem>>, vector<16xf32>,
        %scan3A_319 = arith.constant 0 : i32
        scf.yield %scan3A_319 : i32
      }
      %scan3A_159 = arith.constant 64 : i32
      %mul3A_160 = arith.constant 8 : i32
      %mul3A_161 = arith.muli %add3A_139, %mul3A_160 : i32
      %dma_start3A_162 = arith.constant 0 : i32
      %dma_start3A_163 = arith.constant 0 : i32
      %dma_start3A_164 = tpu.memref_slice %arg5[%mul3A_161, %add3A, %dma_start3A_162, %dma_start3A_163] : memref<1600x32x8x128xf32, #tpu.memory_space<hbm>> -> memref<8x1x8x128xf32, #tpu.memory_space<hbm>>
      %dma_start3A_165 = tpu.memref_squeeze %dma_start3A_164 : memref<8x1x8x128xf32, #tpu.memory_space<hbm>> -> memref<8x8x128xf32, #tpu.memory_space<hbm>>
      %dma_start3A_166 = arith.constant 0 : i32
      %dma_start3A_167 = arith.constant 0 : i32
      %dma_start3A_168 = tpu.memref_slice %arg5[%mul3A_161, %add3A, %dma_start3A_166, %dma_start3A_167] : memref<1600x32x8x128xf32, #tpu.memory_space<hbm>> -> memref<8x1x8x128xf32, #tpu.memory_space<hbm>>
      %dma_start3A_169 = tpu.memref_squeeze %dma_start3A_168 : memref<8x1x8x128xf32, #tpu.memory_space<hbm>> -> memref<8x8x128xf32, #tpu.memory_space<hbm>>
      tpu.enqueue_dma source(%arg13 : memref<8x8x128xf32, #tpu.memory_space<vmem>>) target(%dma_start3A_169 : memref<8x8x128xf32, #tpu.memory_space<hbm>>) target_semaphore(%arg21 : memref<!tpu.dma_semaphore, #tpu.memory_space<semaphore_mem>>)
      %add3A_170 = arith.constant 4 : i32
      %add3A_171 = arith.addi %add3A_139, %add3A_170 : i32
      %lt3A_172 = arith.constant 200 : i32
      %lt3A_173 = arith.cmpi slt, %add3A_171, %lt3A_172 : i32
      %convert_element_type3A_174 = arith.extui %lt3A_173 : i1 to i32
      %cond3A_175 = arith.constant 0 : i32
      %cond3A_176 = arith.cmpi ne, %convert_element_type3A_174, %cond3A_175 : i32
      scf.if %cond3A_176 {
        %add3A_259 = arith.constant 4 : i32
        %add3A_260 = arith.addi %add3A_139, %add3A_259 : i32
        %dma_start3A_261 = arith.constant 0 : i32
        %dma_start3A_262 = tpu.memref_slice %arg6[%add3A_260, %dma_start3A_261] : memref<200x128xi32, #tpu.memory_space<vmem>> -> memref<1x128xi32, #tpu.memory_space<vmem>>
        %dma_start3A_263 = tpu.memref_squeeze %dma_start3A_262 : memref<1x128xi32, #tpu.memory_space<vmem>> -> memref<128xi32, #tpu.memory_space<vmem>>
        %dma_start3A_264 = arith.constant 0 : i32
        %dma_start3A_265 = arith.constant 0 : i32
        %dma_start3A_266 = tpu.memref_slice %arg3[%dma_start3A_264, %dma_start3A_265] : memref<100000x64xf32, #tpu.memory_space<hbm>> -> memref<100000x64xf32, #tpu.memory_space<hbm>>
        tpu.enqueue_indirect_dma source(%dma_start3A_266 : memref<100000x64xf32, #tpu.memory_space<hbm>>) target(%arg9 : memref<128x64xf32, #tpu.memory_space<vmem>>) offsets(%dma_start3A_263 : memref<128xi32, #tpu.memory_space<vmem>>) semaphore(%arg17 : memref<!tpu.dma_semaphore, #tpu.memory_space<semaphore_mem>>)
      } else {
      }
      %mul3A_177 = arith.constant 4 : i32
      %mul3A_178 = arith.muli %scan3A_98, %mul3A_177 : i32
      %add3A_179 = arith.constant 2 : i32
      %add3A_180 = arith.addi %mul3A_178, %add3A_179 : i32
      %dma_wait3A_181 = arith.constant 0 : i32
      %dma_wait3A_182 = tpu.memref_slice %arg6[%add3A_180, %dma_wait3A_181] : memref<200x128xi32, #tpu.memory_space<vmem>> -> memref<1x128xi32, #tpu.memory_space<vmem>>
      %dma_wait3A_183 = tpu.memref_squeeze %dma_wait3A_182 : memref<1x128xi32, #tpu.memory_space<vmem>> -> memref<128xi32, #tpu.memory_space<vmem>>
      %dma_wait3A_184 = arith.constant 0 : i32
      %dma_wait3A_185 = arith.constant 0 : i32
      %dma_wait3A_186 = tpu.memref_slice %arg3[%dma_wait3A_184, %dma_wait3A_185] : memref<100000x64xf32, #tpu.memory_space<hbm>> -> memref<100000x64xf32, #tpu.memory_space<hbm>>
      tpu.wait_indirect_dma semaphore(%arg18 : memref<!tpu.dma_semaphore, #tpu.memory_space<semaphore_mem>>) src(%dma_wait3A_186 : memref<100000x64xf32, #tpu.memory_space<hbm>>) dst(%arg10 : memref<128x64xf32, #tpu.memory_space<vmem>>)
      %gt3A_187 = arith.constant 0 : i32
      %gt3A_188 = arith.cmpi sgt, %scan3A_98, %gt3A_187 : i32
      %convert_element_type3A_189 = arith.extui %gt3A_188 : i1 to i32
      %cond3A_190 = arith.constant 0 : i32
      %cond3A_191 = arith.cmpi ne, %convert_element_type3A_189, %cond3A_190 : i32
      scf.if %cond3A_191 {
        %sub3A = arith.constant 4 : i32
        %sub3A_259 = arith.subi %add3A_180, %sub3A : i32
        %mul3A_260 = arith.constant 8 : i32
        %mul3A_261 = arith.muli %sub3A_259, %mul3A_260 : i32
        %dma_wait3A_262 = arith.constant 0 : i32
        %dma_wait3A_263 = arith.constant 0 : i32
        %dma_wait3A_264 = tpu.memref_slice %arg5[%mul3A_261, %add3A, %dma_wait3A_262, %dma_wait3A_263] : memref<1600x32x8x128xf32, #tpu.memory_space<hbm>> -> memref<8x1x8x128xf32, #tpu.memory_space<hbm>>
        %dma_wait3A_265 = tpu.memref_squeeze %dma_wait3A_264 : memref<8x1x8x128xf32, #tpu.memory_space<hbm>> -> memref<8x8x128xf32, #tpu.memory_space<hbm>>
        %dma_wait3A_266 = arith.constant 0 : i32
        %dma_wait3A_267 = arith.constant 0 : i32
        %dma_wait3A_268 = tpu.memref_slice %arg5[%mul3A_261, %add3A, %dma_wait3A_266, %dma_wait3A_267] : memref<1600x32x8x128xf32, #tpu.memory_space<hbm>> -> memref<8x1x8x128xf32, #tpu.memory_space<hbm>>
        %dma_wait3A_269 = tpu.memref_squeeze %dma_wait3A_268 : memref<8x1x8x128xf32, #tpu.memory_space<hbm>> -> memref<8x8x128xf32, #tpu.memory_space<hbm>>
        tpu.wait_dma2 semaphore(%arg22 : memref<!tpu.dma_semaphore, #tpu.memory_space<semaphore_mem>>) src(%arg14 : memref<8x8x128xf32, #tpu.memory_space<vmem>>) dst(%dma_wait3A_269 : memref<8x8x128xf32, #tpu.memory_space<hbm>>)
      } else {
      }
      %mul3A_192 = arith.constant 64 : i32
      %mul3A_193 = arith.muli %add3A_180, %mul3A_192 : i32
      %scan3A_194 = arith.constant 0 : i32
      %scan3A_195 = arith.constant 0 : i32
      %scan3A_196 = arith.constant 64 : i32
      %scan3A_197 = arith.addi %scan3A_195, %scan3A_196 : i32
      %scan3A_198 = arith.constant 1 : i32
      %scan3A_199 = scf.for %scan3A_259 = %scan3A_195 to %scan3A_197 step %scan3A_198 iter_args(%scan3A_260 = %scan3A_194) -> (i32)  : i32 {
        %shift_right_logical3A = arith.constant 3 : i32
        %shift_right_logical3A_261 = arith.shrui %scan3A_259, %shift_right_logical3A : i32
        %and3A = arith.constant 7 : i32
        %and3A_262 = arith.andi %scan3A_259, %and3A : i32
        %add3A_263 = arith.addi %mul3A_193, %scan3A_259 : i32
        %get3A = arith.index_cast %add3A_263 : i32 to index
        %get3A_264 = tpu.vector_load %arg7[%get3A] {strides = array<i32>} : memref<12816xf32, #tpu.memory_space<vmem>>, vector<16xf32>,
        %slice3A = vector.extract_strided_slice %get3A_264 {offsets = [0], sizes = [1], strides = [1]} : vector<16xf32> to vector<1xf32>
        %squeeze3A = vector.extract %slice3A[0] : f32 from vector<1xf32>
        %broadcast_in_dim3A = vector.broadcast %scan3A_259 : i32 to vector<16xi32>
        %gather3A = tpu.vector_load_idx %arg10[%add3A_5, %broadcast_in_dim3A] : memref<128x64xf32, #tpu.memory_space<vmem>>[vector<16xi32>, vector<16xi32>], vector<16xf32>,
        %add3A_265 = vector.broadcast %squeeze3A : f32 to vector<16xf32>
        %add3A_266 = arith.addf %gather3A, %add3A_265 : vector<16xf32>
        %swap3A = arith.index_cast %shift_right_logical3A_261 : i32 to index
        %swap3A_267 = arith.index_cast %and3A_262 : i32 to index
        %swap3A_268 = arith.constant 0 : index
        %swap3A_269 = tpu.vector_load %arg14[%swap3A, %swap3A_267, %swap3A_268] {strides = array<i32>} : memref<8x8x128xf32, #tpu.memory_space<vmem>>, vector<16xf32>,
        tpu.vector_store %arg14[%swap3A, %swap3A_267, %swap3A_268], %add3A_266 {strides = array<i32>} : memref<8x8x128xf32, #tpu.memory_space<vmem>>, vector<16xf32>,
        %gather3A_270 = tpu.vector_load_idx %arg10[%add3A_8, %broadcast_in_dim3A] : memref<128x64xf32, #tpu.memory_space<vmem>>[vector<16xi32>, vector<16xi32>], vector<16xf32>,
        %add3A_271 = vector.broadcast %squeeze3A : f32 to vector<16xf32>
        %add3A_272 = arith.addf %gather3A_270, %add3A_271 : vector<16xf32>
        %swap3A_273 = arith.index_cast %shift_right_logical3A_261 : i32 to index
        %swap3A_274 = arith.index_cast %and3A_262 : i32 to index
        %swap3A_275 = arith.constant 16 : index
        %swap3A_276 = tpu.vector_load %arg14[%swap3A_273, %swap3A_274, %swap3A_275] {strides = array<i32>} : memref<8x8x128xf32, #tpu.memory_space<vmem>>, vector<16xf32>,
        tpu.vector_store %arg14[%swap3A_273, %swap3A_274, %swap3A_275], %add3A_272 {strides = array<i32>} : memref<8x8x128xf32, #tpu.memory_space<vmem>>, vector<16xf32>,
        %gather3A_277 = tpu.vector_load_idx %arg10[%add3A_11, %broadcast_in_dim3A] : memref<128x64xf32, #tpu.memory_space<vmem>>[vector<16xi32>, vector<16xi32>], vector<16xf32>,
        %add3A_278 = vector.broadcast %squeeze3A : f32 to vector<16xf32>
        %add3A_279 = arith.addf %gather3A_277, %add3A_278 : vector<16xf32>
        %swap3A_280 = arith.index_cast %shift_right_logical3A_261 : i32 to index
        %swap3A_281 = arith.index_cast %and3A_262 : i32 to index
        %swap3A_282 = arith.constant 32 : index
        %swap3A_283 = tpu.vector_load %arg14[%swap3A_280, %swap3A_281, %swap3A_282] {strides = array<i32>} : memref<8x8x128xf32, #tpu.memory_space<vmem>>, vector<16xf32>,
        tpu.vector_store %arg14[%swap3A_280, %swap3A_281, %swap3A_282], %add3A_279 {strides = array<i32>} : memref<8x8x128xf32, #tpu.memory_space<vmem>>, vector<16xf32>,
        %gather3A_284 = tpu.vector_load_idx %arg10[%add3A_14, %broadcast_in_dim3A] : memref<128x64xf32, #tpu.memory_space<vmem>>[vector<16xi32>, vector<16xi32>], vector<16xf32>,
        %add3A_285 = vector.broadcast %squeeze3A : f32 to vector<16xf32>
        %add3A_286 = arith.addf %gather3A_284, %add3A_285 : vector<16xf32>
        %swap3A_287 = arith.index_cast %shift_right_logical3A_261 : i32 to index
        %swap3A_288 = arith.index_cast %and3A_262 : i32 to index
        %swap3A_289 = arith.constant 48 : index
        %swap3A_290 = tpu.vector_load %arg14[%swap3A_287, %swap3A_288, %swap3A_289] {strides = array<i32>} : memref<8x8x128xf32, #tpu.memory_space<vmem>>, vector<16xf32>,
        tpu.vector_store %arg14[%swap3A_287, %swap3A_288, %swap3A_289], %add3A_286 {strides = array<i32>} : memref<8x8x128xf32, #tpu.memory_space<vmem>>, vector<16xf32>,
        %gather3A_291 = tpu.vector_load_idx %arg10[%add3A_17, %broadcast_in_dim3A] : memref<128x64xf32, #tpu.memory_space<vmem>>[vector<16xi32>, vector<16xi32>], vector<16xf32>,
        %add3A_292 = vector.broadcast %squeeze3A : f32 to vector<16xf32>
        %add3A_293 = arith.addf %gather3A_291, %add3A_292 : vector<16xf32>
        %swap3A_294 = arith.index_cast %shift_right_logical3A_261 : i32 to index
        %swap3A_295 = arith.index_cast %and3A_262 : i32 to index
        %swap3A_296 = arith.constant 64 : index
        %swap3A_297 = tpu.vector_load %arg14[%swap3A_294, %swap3A_295, %swap3A_296] {strides = array<i32>} : memref<8x8x128xf32, #tpu.memory_space<vmem>>, vector<16xf32>,
        tpu.vector_store %arg14[%swap3A_294, %swap3A_295, %swap3A_296], %add3A_293 {strides = array<i32>} : memref<8x8x128xf32, #tpu.memory_space<vmem>>, vector<16xf32>,
        %gather3A_298 = tpu.vector_load_idx %arg10[%add3A_20, %broadcast_in_dim3A] : memref<128x64xf32, #tpu.memory_space<vmem>>[vector<16xi32>, vector<16xi32>], vector<16xf32>,
        %add3A_299 = vector.broadcast %squeeze3A : f32 to vector<16xf32>
        %add3A_300 = arith.addf %gather3A_298, %add3A_299 : vector<16xf32>
        %swap3A_301 = arith.index_cast %shift_right_logical3A_261 : i32 to index
        %swap3A_302 = arith.index_cast %and3A_262 : i32 to index
        %swap3A_303 = arith.constant 80 : index
        %swap3A_304 = tpu.vector_load %arg14[%swap3A_301, %swap3A_302, %swap3A_303] {strides = array<i32>} : memref<8x8x128xf32, #tpu.memory_space<vmem>>, vector<16xf32>,
        tpu.vector_store %arg14[%swap3A_301, %swap3A_302, %swap3A_303], %add3A_300 {strides = array<i32>} : memref<8x8x128xf32, #tpu.memory_space<vmem>>, vector<16xf32>,
        %gather3A_305 = tpu.vector_load_idx %arg10[%add3A_23, %broadcast_in_dim3A] : memref<128x64xf32, #tpu.memory_space<vmem>>[vector<16xi32>, vector<16xi32>], vector<16xf32>,
        %add3A_306 = vector.broadcast %squeeze3A : f32 to vector<16xf32>
        %add3A_307 = arith.addf %gather3A_305, %add3A_306 : vector<16xf32>
        %swap3A_308 = arith.index_cast %shift_right_logical3A_261 : i32 to index
        %swap3A_309 = arith.index_cast %and3A_262 : i32 to index
        %swap3A_310 = arith.constant 96 : index
        %swap3A_311 = tpu.vector_load %arg14[%swap3A_308, %swap3A_309, %swap3A_310] {strides = array<i32>} : memref<8x8x128xf32, #tpu.memory_space<vmem>>, vector<16xf32>,
        tpu.vector_store %arg14[%swap3A_308, %swap3A_309, %swap3A_310], %add3A_307 {strides = array<i32>} : memref<8x8x128xf32, #tpu.memory_space<vmem>>, vector<16xf32>,
        %gather3A_312 = tpu.vector_load_idx %arg10[%add3A_26, %broadcast_in_dim3A] : memref<128x64xf32, #tpu.memory_space<vmem>>[vector<16xi32>, vector<16xi32>], vector<16xf32>,
        %add3A_313 = vector.broadcast %squeeze3A : f32 to vector<16xf32>
        %add3A_314 = arith.addf %gather3A_312, %add3A_313 : vector<16xf32>
        %swap3A_315 = arith.index_cast %shift_right_logical3A_261 : i32 to index
        %swap3A_316 = arith.index_cast %and3A_262 : i32 to index
        %swap3A_317 = arith.constant 112 : index
        %swap3A_318 = tpu.vector_load %arg14[%swap3A_315, %swap3A_316, %swap3A_317] {strides = array<i32>} : memref<8x8x128xf32, #tpu.memory_space<vmem>>, vector<16xf32>,
        tpu.vector_store %arg14[%swap3A_315, %swap3A_316, %swap3A_317], %add3A_314 {strides = array<i32>} : memref<8x8x128xf32, #tpu.memory_space<vmem>>, vector<16xf32>,
        %scan3A_319 = arith.constant 0 : i32
        scf.yield %scan3A_319 : i32
      }
      %scan3A_200 = arith.constant 64 : i32
      %mul3A_201 = arith.constant 8 : i32
      %mul3A_202 = arith.muli %add3A_180, %mul3A_201 : i32
      %dma_start3A_203 = arith.constant 0 : i32
      %dma_start3A_204 = arith.constant 0 : i32
      %dma_start3A_205 = tpu.memref_slice %arg5[%mul3A_202, %add3A, %dma_start3A_203, %dma_start3A_204] : memref<1600x32x8x128xf32, #tpu.memory_space<hbm>> -> memref<8x1x8x128xf32, #tpu.memory_space<hbm>>
      %dma_start3A_206 = tpu.memref_squeeze %dma_start3A_205 : memref<8x1x8x128xf32, #tpu.memory_space<hbm>> -> memref<8x8x128xf32, #tpu.memory_space<hbm>>
      %dma_start3A_207 = arith.constant 0 : i32
      %dma_start3A_208 = arith.constant 0 : i32
      %dma_start3A_209 = tpu.memref_slice %arg5[%mul3A_202, %add3A, %dma_start3A_207, %dma_start3A_208] : memref<1600x32x8x128xf32, #tpu.memory_space<hbm>> -> memref<8x1x8x128xf32, #tpu.memory_space<hbm>>
      %dma_start3A_210 = tpu.memref_squeeze %dma_start3A_209 : memref<8x1x8x128xf32, #tpu.memory_space<hbm>> -> memref<8x8x128xf32, #tpu.memory_space<hbm>>
      tpu.enqueue_dma source(%arg14 : memref<8x8x128xf32, #tpu.memory_space<vmem>>) target(%dma_start3A_210 : memref<8x8x128xf32, #tpu.memory_space<hbm>>) target_semaphore(%arg22 : memref<!tpu.dma_semaphore, #tpu.memory_space<semaphore_mem>>)
      %add3A_211 = arith.constant 4 : i32
      %add3A_212 = arith.addi %add3A_180, %add3A_211 : i32
      %lt3A_213 = arith.constant 200 : i32
      %lt3A_214 = arith.cmpi slt, %add3A_212, %lt3A_213 : i32
      %convert_element_type3A_215 = arith.extui %lt3A_214 : i1 to i32
      %cond3A_216 = arith.constant 0 : i32
      %cond3A_217 = arith.cmpi ne, %convert_element_type3A_215, %cond3A_216 : i32
      scf.if %cond3A_217 {
        %add3A_259 = arith.constant 4 : i32
        %add3A_260 = arith.addi %add3A_180, %add3A_259 : i32
        %dma_start3A_261 = arith.constant 0 : i32
        %dma_start3A_262 = tpu.memref_slice %arg6[%add3A_260, %dma_start3A_261] : memref<200x128xi32, #tpu.memory_space<vmem>> -> memref<1x128xi32, #tpu.memory_space<vmem>>
        %dma_start3A_263 = tpu.memref_squeeze %dma_start3A_262 : memref<1x128xi32, #tpu.memory_space<vmem>> -> memref<128xi32, #tpu.memory_space<vmem>>
        %dma_start3A_264 = arith.constant 0 : i32
        %dma_start3A_265 = arith.constant 0 : i32
        %dma_start3A_266 = tpu.memref_slice %arg3[%dma_start3A_264, %dma_start3A_265] : memref<100000x64xf32, #tpu.memory_space<hbm>> -> memref<100000x64xf32, #tpu.memory_space<hbm>>
        tpu.enqueue_indirect_dma source(%dma_start3A_266 : memref<100000x64xf32, #tpu.memory_space<hbm>>) target(%arg10 : memref<128x64xf32, #tpu.memory_space<vmem>>) offsets(%dma_start3A_263 : memref<128xi32, #tpu.memory_space<vmem>>) semaphore(%arg18 : memref<!tpu.dma_semaphore, #tpu.memory_space<semaphore_mem>>)
      } else {
      }
      %mul3A_218 = arith.constant 4 : i32
      %mul3A_219 = arith.muli %scan3A_98, %mul3A_218 : i32
      %add3A_220 = arith.constant 3 : i32
      %add3A_221 = arith.addi %mul3A_219, %add3A_220 : i32
      %dma_wait3A_222 = arith.constant 0 : i32
      %dma_wait3A_223 = tpu.memref_slice %arg6[%add3A_221, %dma_wait3A_222] : memref<200x128xi32, #tpu.memory_space<vmem>> -> memref<1x128xi32, #tpu.memory_space<vmem>>
      %dma_wait3A_224 = tpu.memref_squeeze %dma_wait3A_223 : memref<1x128xi32, #tpu.memory_space<vmem>> -> memref<128xi32, #tpu.memory_space<vmem>>
      %dma_wait3A_225 = arith.constant 0 : i32
      %dma_wait3A_226 = arith.constant 0 : i32
      %dma_wait3A_227 = tpu.memref_slice %arg3[%dma_wait3A_225, %dma_wait3A_226] : memref<100000x64xf32, #tpu.memory_space<hbm>> -> memref<100000x64xf32, #tpu.memory_space<hbm>>
      tpu.wait_indirect_dma semaphore(%arg19 : memref<!tpu.dma_semaphore, #tpu.memory_space<semaphore_mem>>) src(%dma_wait3A_227 : memref<100000x64xf32, #tpu.memory_space<hbm>>) dst(%arg11 : memref<128x64xf32, #tpu.memory_space<vmem>>)
      %gt3A_228 = arith.constant 0 : i32
      %gt3A_229 = arith.cmpi sgt, %scan3A_98, %gt3A_228 : i32
      %convert_element_type3A_230 = arith.extui %gt3A_229 : i1 to i32
      %cond3A_231 = arith.constant 0 : i32
      %cond3A_232 = arith.cmpi ne, %convert_element_type3A_230, %cond3A_231 : i32
      scf.if %cond3A_232 {
        %sub3A = arith.constant 4 : i32
        %sub3A_259 = arith.subi %add3A_221, %sub3A : i32
        %mul3A_260 = arith.constant 8 : i32
        %mul3A_261 = arith.muli %sub3A_259, %mul3A_260 : i32
        %dma_wait3A_262 = arith.constant 0 : i32
        %dma_wait3A_263 = arith.constant 0 : i32
        %dma_wait3A_264 = tpu.memref_slice %arg5[%mul3A_261, %add3A, %dma_wait3A_262, %dma_wait3A_263] : memref<1600x32x8x128xf32, #tpu.memory_space<hbm>> -> memref<8x1x8x128xf32, #tpu.memory_space<hbm>>
        %dma_wait3A_265 = tpu.memref_squeeze %dma_wait3A_264 : memref<8x1x8x128xf32, #tpu.memory_space<hbm>> -> memref<8x8x128xf32, #tpu.memory_space<hbm>>
        %dma_wait3A_266 = arith.constant 0 : i32
        %dma_wait3A_267 = arith.constant 0 : i32
        %dma_wait3A_268 = tpu.memref_slice %arg5[%mul3A_261, %add3A, %dma_wait3A_266, %dma_wait3A_267] : memref<1600x32x8x128xf32, #tpu.memory_space<hbm>> -> memref<8x1x8x128xf32, #tpu.memory_space<hbm>>
        %dma_wait3A_269 = tpu.memref_squeeze %dma_wait3A_268 : memref<8x1x8x128xf32, #tpu.memory_space<hbm>> -> memref<8x8x128xf32, #tpu.memory_space<hbm>>
        tpu.wait_dma2 semaphore(%arg23 : memref<!tpu.dma_semaphore, #tpu.memory_space<semaphore_mem>>) src(%arg15 : memref<8x8x128xf32, #tpu.memory_space<vmem>>) dst(%dma_wait3A_269 : memref<8x8x128xf32, #tpu.memory_space<hbm>>)
      } else {
      }
      %mul3A_233 = arith.constant 64 : i32
      %mul3A_234 = arith.muli %add3A_221, %mul3A_233 : i32
      %scan3A_235 = arith.constant 0 : i32
      %scan3A_236 = arith.constant 0 : i32
      %scan3A_237 = arith.constant 64 : i32
      %scan3A_238 = arith.addi %scan3A_236, %scan3A_237 : i32
      %scan3A_239 = arith.constant 1 : i32
      %scan3A_240 = scf.for %scan3A_259 = %scan3A_236 to %scan3A_238 step %scan3A_239 iter_args(%scan3A_260 = %scan3A_235) -> (i32)  : i32 {
        %shift_right_logical3A = arith.constant 3 : i32
        %shift_right_logical3A_261 = arith.shrui %scan3A_259, %shift_right_logical3A : i32
        %and3A = arith.constant 7 : i32
        %and3A_262 = arith.andi %scan3A_259, %and3A : i32
        %add3A_263 = arith.addi %mul3A_234, %scan3A_259 : i32
        %get3A = arith.index_cast %add3A_263 : i32 to index
        %get3A_264 = tpu.vector_load %arg7[%get3A] {strides = array<i32>} : memref<12816xf32, #tpu.memory_space<vmem>>, vector<16xf32>,
        %slice3A = vector.extract_strided_slice %get3A_264 {offsets = [0], sizes = [1], strides = [1]} : vector<16xf32> to vector<1xf32>
        %squeeze3A = vector.extract %slice3A[0] : f32 from vector<1xf32>
        %broadcast_in_dim3A = vector.broadcast %scan3A_259 : i32 to vector<16xi32>
        %gather3A = tpu.vector_load_idx %arg11[%add3A_5, %broadcast_in_dim3A] : memref<128x64xf32, #tpu.memory_space<vmem>>[vector<16xi32>, vector<16xi32>], vector<16xf32>,
        %add3A_265 = vector.broadcast %squeeze3A : f32 to vector<16xf32>
        %add3A_266 = arith.addf %gather3A, %add3A_265 : vector<16xf32>
        %swap3A = arith.index_cast %shift_right_logical3A_261 : i32 to index
        %swap3A_267 = arith.index_cast %and3A_262 : i32 to index
        %swap3A_268 = arith.constant 0 : index
        %swap3A_269 = tpu.vector_load %arg15[%swap3A, %swap3A_267, %swap3A_268] {strides = array<i32>} : memref<8x8x128xf32, #tpu.memory_space<vmem>>, vector<16xf32>,
        tpu.vector_store %arg15[%swap3A, %swap3A_267, %swap3A_268], %add3A_266 {strides = array<i32>} : memref<8x8x128xf32, #tpu.memory_space<vmem>>, vector<16xf32>,
        %gather3A_270 = tpu.vector_load_idx %arg11[%add3A_8, %broadcast_in_dim3A] : memref<128x64xf32, #tpu.memory_space<vmem>>[vector<16xi32>, vector<16xi32>], vector<16xf32>,
        %add3A_271 = vector.broadcast %squeeze3A : f32 to vector<16xf32>
        %add3A_272 = arith.addf %gather3A_270, %add3A_271 : vector<16xf32>
        %swap3A_273 = arith.index_cast %shift_right_logical3A_261 : i32 to index
        %swap3A_274 = arith.index_cast %and3A_262 : i32 to index
        %swap3A_275 = arith.constant 16 : index
        %swap3A_276 = tpu.vector_load %arg15[%swap3A_273, %swap3A_274, %swap3A_275] {strides = array<i32>} : memref<8x8x128xf32, #tpu.memory_space<vmem>>, vector<16xf32>,
        tpu.vector_store %arg15[%swap3A_273, %swap3A_274, %swap3A_275], %add3A_272 {strides = array<i32>} : memref<8x8x128xf32, #tpu.memory_space<vmem>>, vector<16xf32>,
        %gather3A_277 = tpu.vector_load_idx %arg11[%add3A_11, %broadcast_in_dim3A] : memref<128x64xf32, #tpu.memory_space<vmem>>[vector<16xi32>, vector<16xi32>], vector<16xf32>,
        %add3A_278 = vector.broadcast %squeeze3A : f32 to vector<16xf32>
        %add3A_279 = arith.addf %gather3A_277, %add3A_278 : vector<16xf32>
        %swap3A_280 = arith.index_cast %shift_right_logical3A_261 : i32 to index
        %swap3A_281 = arith.index_cast %and3A_262 : i32 to index
        %swap3A_282 = arith.constant 32 : index
        %swap3A_283 = tpu.vector_load %arg15[%swap3A_280, %swap3A_281, %swap3A_282] {strides = array<i32>} : memref<8x8x128xf32, #tpu.memory_space<vmem>>, vector<16xf32>,
        tpu.vector_store %arg15[%swap3A_280, %swap3A_281, %swap3A_282], %add3A_279 {strides = array<i32>} : memref<8x8x128xf32, #tpu.memory_space<vmem>>, vector<16xf32>,
        %gather3A_284 = tpu.vector_load_idx %arg11[%add3A_14, %broadcast_in_dim3A] : memref<128x64xf32, #tpu.memory_space<vmem>>[vector<16xi32>, vector<16xi32>], vector<16xf32>,
        %add3A_285 = vector.broadcast %squeeze3A : f32 to vector<16xf32>
        %add3A_286 = arith.addf %gather3A_284, %add3A_285 : vector<16xf32>
        %swap3A_287 = arith.index_cast %shift_right_logical3A_261 : i32 to index
        %swap3A_288 = arith.index_cast %and3A_262 : i32 to index
        %swap3A_289 = arith.constant 48 : index
        %swap3A_290 = tpu.vector_load %arg15[%swap3A_287, %swap3A_288, %swap3A_289] {strides = array<i32>} : memref<8x8x128xf32, #tpu.memory_space<vmem>>, vector<16xf32>,
        tpu.vector_store %arg15[%swap3A_287, %swap3A_288, %swap3A_289], %add3A_286 {strides = array<i32>} : memref<8x8x128xf32, #tpu.memory_space<vmem>>, vector<16xf32>,
        %gather3A_291 = tpu.vector_load_idx %arg11[%add3A_17, %broadcast_in_dim3A] : memref<128x64xf32, #tpu.memory_space<vmem>>[vector<16xi32>, vector<16xi32>], vector<16xf32>,
        %add3A_292 = vector.broadcast %squeeze3A : f32 to vector<16xf32>
        %add3A_293 = arith.addf %gather3A_291, %add3A_292 : vector<16xf32>
        %swap3A_294 = arith.index_cast %shift_right_logical3A_261 : i32 to index
        %swap3A_295 = arith.index_cast %and3A_262 : i32 to index
        %swap3A_296 = arith.constant 64 : index
        %swap3A_297 = tpu.vector_load %arg15[%swap3A_294, %swap3A_295, %swap3A_296] {strides = array<i32>} : memref<8x8x128xf32, #tpu.memory_space<vmem>>, vector<16xf32>,
        tpu.vector_store %arg15[%swap3A_294, %swap3A_295, %swap3A_296], %add3A_293 {strides = array<i32>} : memref<8x8x128xf32, #tpu.memory_space<vmem>>, vector<16xf32>,
        %gather3A_298 = tpu.vector_load_idx %arg11[%add3A_20, %broadcast_in_dim3A] : memref<128x64xf32, #tpu.memory_space<vmem>>[vector<16xi32>, vector<16xi32>], vector<16xf32>,
        %add3A_299 = vector.broadcast %squeeze3A : f32 to vector<16xf32>
        %add3A_300 = arith.addf %gather3A_298, %add3A_299 : vector<16xf32>
        %swap3A_301 = arith.index_cast %shift_right_logical3A_261 : i32 to index
        %swap3A_302 = arith.index_cast %and3A_262 : i32 to index
        %swap3A_303 = arith.constant 80 : index
        %swap3A_304 = tpu.vector_load %arg15[%swap3A_301, %swap3A_302, %swap3A_303] {strides = array<i32>} : memref<8x8x128xf32, #tpu.memory_space<vmem>>, vector<16xf32>,
        tpu.vector_store %arg15[%swap3A_301, %swap3A_302, %swap3A_303], %add3A_300 {strides = array<i32>} : memref<8x8x128xf32, #tpu.memory_space<vmem>>, vector<16xf32>,
        %gather3A_305 = tpu.vector_load_idx %arg11[%add3A_23, %broadcast_in_dim3A] : memref<128x64xf32, #tpu.memory_space<vmem>>[vector<16xi32>, vector<16xi32>], vector<16xf32>,
        %add3A_306 = vector.broadcast %squeeze3A : f32 to vector<16xf32>
        %add3A_307 = arith.addf %gather3A_305, %add3A_306 : vector<16xf32>
        %swap3A_308 = arith.index_cast %shift_right_logical3A_261 : i32 to index
        %swap3A_309 = arith.index_cast %and3A_262 : i32 to index
        %swap3A_310 = arith.constant 96 : index
        %swap3A_311 = tpu.vector_load %arg15[%swap3A_308, %swap3A_309, %swap3A_310] {strides = array<i32>} : memref<8x8x128xf32, #tpu.memory_space<vmem>>, vector<16xf32>,
        tpu.vector_store %arg15[%swap3A_308, %swap3A_309, %swap3A_310], %add3A_307 {strides = array<i32>} : memref<8x8x128xf32, #tpu.memory_space<vmem>>, vector<16xf32>,
        %gather3A_312 = tpu.vector_load_idx %arg11[%add3A_26, %broadcast_in_dim3A] : memref<128x64xf32, #tpu.memory_space<vmem>>[vector<16xi32>, vector<16xi32>], vector<16xf32>,
        %add3A_313 = vector.broadcast %squeeze3A : f32 to vector<16xf32>
        %add3A_314 = arith.addf %gather3A_312, %add3A_313 : vector<16xf32>
        %swap3A_315 = arith.index_cast %shift_right_logical3A_261 : i32 to index
        %swap3A_316 = arith.index_cast %and3A_262 : i32 to index
        %swap3A_317 = arith.constant 112 : index
        %swap3A_318 = tpu.vector_load %arg15[%swap3A_315, %swap3A_316, %swap3A_317] {strides = array<i32>} : memref<8x8x128xf32, #tpu.memory_space<vmem>>, vector<16xf32>,
        tpu.vector_store %arg15[%swap3A_315, %swap3A_316, %swap3A_317], %add3A_314 {strides = array<i32>} : memref<8x8x128xf32, #tpu.memory_space<vmem>>, vector<16xf32>,
        %scan3A_319 = arith.constant 0 : i32
        scf.yield %scan3A_319 : i32
      }
      %scan3A_241 = arith.constant 64 : i32
      %mul3A_242 = arith.constant 8 : i32
      %mul3A_243 = arith.muli %add3A_221, %mul3A_242 : i32
      %dma_start3A_244 = arith.constant 0 : i32
      %dma_start3A_245 = arith.constant 0 : i32
      %dma_start3A_246 = tpu.memref_slice %arg5[%mul3A_243, %add3A, %dma_start3A_244, %dma_start3A_245] : memref<1600x32x8x128xf32, #tpu.memory_space<hbm>> -> memref<8x1x8x128xf32, #tpu.memory_space<hbm>>
      %dma_start3A_247 = tpu.memref_squeeze %dma_start3A_246 : memref<8x1x8x128xf32, #tpu.memory_space<hbm>> -> memref<8x8x128xf32, #tpu.memory_space<hbm>>
      %dma_start3A_248 = arith.constant 0 : i32
      %dma_start3A_249 = arith.constant 0 : i32
      %dma_start3A_250 = tpu.memref_slice %arg5[%mul3A_243, %add3A, %dma_start3A_248, %dma_start3A_249] : memref<1600x32x8x128xf32, #tpu.memory_space<hbm>> -> memref<8x1x8x128xf32, #tpu.memory_space<hbm>>
      %dma_start3A_251 = tpu.memref_squeeze %dma_start3A_250 : memref<8x1x8x128xf32, #tpu.memory_space<hbm>> -> memref<8x8x128xf32, #tpu.memory_space<hbm>>
      tpu.enqueue_dma source(%arg15 : memref<8x8x128xf32, #tpu.memory_space<vmem>>) target(%dma_start3A_251 : memref<8x8x128xf32, #tpu.memory_space<hbm>>) target_semaphore(%arg23 : memref<!tpu.dma_semaphore, #tpu.memory_space<semaphore_mem>>)
      %add3A_252 = arith.constant 4 : i32
      %add3A_253 = arith.addi %add3A_221, %add3A_252 : i32
      %lt3A_254 = arith.constant 200 : i32
      %lt3A_255 = arith.cmpi slt, %add3A_253, %lt3A_254 : i32
      %convert_element_type3A_256 = arith.extui %lt3A_255 : i1 to i32
      %cond3A_257 = arith.constant 0 : i32
      %cond3A_258 = arith.cmpi ne, %convert_element_type3A_256, %cond3A_257 : i32
      scf.if %cond3A_258 {
        %add3A_259 = arith.constant 4 : i32
        %add3A_260 = arith.addi %add3A_221, %add3A_259 : i32
        %dma_start3A_261 = arith.constant 0 : i32
        %dma_start3A_262 = tpu.memref_slice %arg6[%add3A_260, %dma_start3A_261] : memref<200x128xi32, #tpu.memory_space<vmem>> -> memref<1x128xi32, #tpu.memory_space<vmem>>
        %dma_start3A_263 = tpu.memref_squeeze %dma_start3A_262 : memref<1x128xi32, #tpu.memory_space<vmem>> -> memref<128xi32, #tpu.memory_space<vmem>>
        %dma_start3A_264 = arith.constant 0 : i32
        %dma_start3A_265 = arith.constant 0 : i32
        %dma_start3A_266 = tpu.memref_slice %arg3[%dma_start3A_264, %dma_start3A_265] : memref<100000x64xf32, #tpu.memory_space<hbm>> -> memref<100000x64xf32, #tpu.memory_space<hbm>>
        tpu.enqueue_indirect_dma source(%dma_start3A_266 : memref<100000x64xf32, #tpu.memory_space<hbm>>) target(%arg11 : memref<128x64xf32, #tpu.memory_space<vmem>>) offsets(%dma_start3A_263 : memref<128xi32, #tpu.memory_space<vmem>>) semaphore(%arg19 : memref<!tpu.dma_semaphore, #tpu.memory_space<semaphore_mem>>)
      } else {
      }
    }
    %scan3A_58 = arith.constant 50 : i32
    %dma_wait3A = arith.constant 1568 : i32
    %dma_wait3A_59 = arith.constant 0 : i32
    %dma_wait3A_60 = arith.constant 0 : i32
    %dma_wait3A_61 = tpu.memref_slice %arg5[%dma_wait3A, %add3A, %dma_wait3A_59, %dma_wait3A_60] : memref<1600x32x8x128xf32, #tpu.memory_space<hbm>> -> memref<8x1x8x128xf32, #tpu.memory_space<hbm>>
    %dma_wait3A_62 = tpu.memref_squeeze %dma_wait3A_61 : memref<8x1x8x128xf32, #tpu.memory_space<hbm>> -> memref<8x8x128xf32, #tpu.memory_space<hbm>>
    %dma_wait3A_63 = arith.constant 1568 : i32
    %dma_wait3A_64 = arith.constant 0 : i32
    %dma_wait3A_65 = arith.constant 0 : i32
    %dma_wait3A_66 = tpu.memref_slice %arg5[%dma_wait3A_63, %add3A, %dma_wait3A_64, %dma_wait3A_65] : memref<1600x32x8x128xf32, #tpu.memory_space<hbm>> -> memref<8x1x8x128xf32, #tpu.memory_space<hbm>>
    %dma_wait3A_67 = tpu.memref_squeeze %dma_wait3A_66 : memref<8x1x8x128xf32, #tpu.memory_space<hbm>> -> memref<8x8x128xf32, #tpu.memory_space<hbm>>
    tpu.wait_dma2 semaphore(%arg20 : memref<!tpu.dma_semaphore, #tpu.memory_space<semaphore_mem>>) src(%arg12 : memref<8x8x128xf32, #tpu.memory_space<vmem>>) dst(%dma_wait3A_67 : memref<8x8x128xf32, #tpu.memory_space<hbm>>)
    %dma_wait3A_68 = arith.constant 1576 : i32
    %dma_wait3A_69 = arith.constant 0 : i32
    %dma_wait3A_70 = arith.constant 0 : i32
    %dma_wait3A_71 = tpu.memref_slice %arg5[%dma_wait3A_68, %add3A, %dma_wait3A_69, %dma_wait3A_70] : memref<1600x32x8x128xf32, #tpu.memory_space<hbm>> -> memref<8x1x8x128xf32, #tpu.memory_space<hbm>>
    %dma_wait3A_72 = tpu.memref_squeeze %dma_wait3A_71 : memref<8x1x8x128xf32, #tpu.memory_space<hbm>> -> memref<8x8x128xf32, #tpu.memory_space<hbm>>
    %dma_wait3A_73 = arith.constant 1576 : i32
    %dma_wait3A_74 = arith.constant 0 : i32
    %dma_wait3A_75 = arith.constant 0 : i32
    %dma_wait3A_76 = tpu.memref_slice %arg5[%dma_wait3A_73, %add3A, %dma_wait3A_74, %dma_wait3A_75] : memref<1600x32x8x128xf32, #tpu.memory_space<hbm>> -> memref<8x1x8x128xf32, #tpu.memory_space<hbm>>
    %dma_wait3A_77 = tpu.memref_squeeze %dma_wait3A_76 : memref<8x1x8x128xf32, #tpu.memory_space<hbm>> -> memref<8x8x128xf32, #tpu.memory_space<hbm>>
    tpu.wait_dma2 semaphore(%arg21 : memref<!tpu.dma_semaphore, #tpu.memory_space<semaphore_mem>>) src(%arg13 : memref<8x8x128xf32, #tpu.memory_space<vmem>>) dst(%dma_wait3A_77 : memref<8x8x128xf32, #tpu.memory_space<hbm>>)
    %dma_wait3A_78 = arith.constant 1584 : i32
    %dma_wait3A_79 = arith.constant 0 : i32
    %dma_wait3A_80 = arith.constant 0 : i32
    %dma_wait3A_81 = tpu.memref_slice %arg5[%dma_wait3A_78, %add3A, %dma_wait3A_79, %dma_wait3A_80] : memref<1600x32x8x128xf32, #tpu.memory_space<hbm>> -> memref<8x1x8x128xf32, #tpu.memory_space<hbm>>
    %dma_wait3A_82 = tpu.memref_squeeze %dma_wait3A_81 : memref<8x1x8x128xf32, #tpu.memory_space<hbm>> -> memref<8x8x128xf32, #tpu.memory_space<hbm>>
    %dma_wait3A_83 = arith.constant 1584 : i32
    %dma_wait3A_84 = arith.constant 0 : i32
    %dma_wait3A_85 = arith.constant 0 : i32
    %dma_wait3A_86 = tpu.memref_slice %arg5[%dma_wait3A_83, %add3A, %dma_wait3A_84, %dma_wait3A_85] : memref<1600x32x8x128xf32, #tpu.memory_space<hbm>> -> memref<8x1x8x128xf32, #tpu.memory_space<hbm>>
    %dma_wait3A_87 = tpu.memref_squeeze %dma_wait3A_86 : memref<8x1x8x128xf32, #tpu.memory_space<hbm>> -> memref<8x8x128xf32, #tpu.memory_space<hbm>>
    tpu.wait_dma2 semaphore(%arg22 : memref<!tpu.dma_semaphore, #tpu.memory_space<semaphore_mem>>) src(%arg14 : memref<8x8x128xf32, #tpu.memory_space<vmem>>) dst(%dma_wait3A_87 : memref<8x8x128xf32, #tpu.memory_space<hbm>>)
    %dma_wait3A_88 = arith.constant 1592 : i32
    %dma_wait3A_89 = arith.constant 0 : i32
    %dma_wait3A_90 = arith.constant 0 : i32
    %dma_wait3A_91 = tpu.memref_slice %arg5[%dma_wait3A_88, %add3A, %dma_wait3A_89, %dma_wait3A_90] : memref<1600x32x8x128xf32, #tpu.memory_space<hbm>> -> memref<8x1x8x128xf32, #tpu.memory_space<hbm>>
    %dma_wait3A_92 = tpu.memref_squeeze %dma_wait3A_91 : memref<8x1x8x128xf32, #tpu.memory_space<hbm>> -> memref<8x8x128xf32, #tpu.memory_space<hbm>>
    %dma_wait3A_93 = arith.constant 1592 : i32
    %dma_wait3A_94 = arith.constant 0 : i32
    %dma_wait3A_95 = arith.constant 0 : i32
    %dma_wait3A_96 = tpu.memref_slice %arg5[%dma_wait3A_93, %add3A, %dma_wait3A_94, %dma_wait3A_95] : memref<1600x32x8x128xf32, #tpu.memory_space<hbm>> -> memref<8x1x8x128xf32, #tpu.memory_space<hbm>>
    %dma_wait3A_97 = tpu.memref_squeeze %dma_wait3A_96 : memref<8x1x8x128xf32, #tpu.memory_space<hbm>> -> memref<8x8x128xf32, #tpu.memory_space<hbm>>
    tpu.wait_dma2 semaphore(%arg23 : memref<!tpu.dma_semaphore, #tpu.memory_space<semaphore_mem>>) src(%arg15 : memref<8x8x128xf32, #tpu.memory_space<vmem>>) dst(%dma_wait3A_97 : memref<8x8x128xf32, #tpu.memory_space<hbm>>)
    return
  }
}

</mosaic_0001>

<sc_bundles>
// kernel: kernel.3.cloned.1.call-start
scs
__scs_entry_jumppad:
0x0: {  	(pc) =	sbr.rel $0x88, $3  }
0x1: {  	(tag) =	ssettag $0x0;
	lr =	simm.s32 $0x1  }
0x2: {  	[smem:$0x3F9E] =	sst lr;
	_ =	strace $0xD0000000  }
0x3: {  	_ = 	snop  }
0x4: {  	_ = 	snop  }
0x5: {  	_ = 	snop  }
0x6: {  	_ = 	snop  }
0x7: {  	_ = 	snop  }
__scs_overlays_trampoline_lowered:
0x8: {  	[smem:$0x3FAD] =	sst s0  }
0x9: {  	[smem:$0x3FAE] =	sst s1  }
0xa: {  	[smem:$0x3FAF] =	sst s2  }
0xb: {  	[smem:$0x3FB0] =	sst s3  }
0xc: {  	[smem:$0x3FB1] =	sst s4  }
0xd: {  	[smem:$0x3FB2] =	sst s5  }
0xe: {  	[smem:$0x3FB3] =	sst s6  }
0xf: {  	[smem:$0x3FB4] =	sst s7  }
0x10: {  	[smem:$0x3FB5] =	sst s8  }
0x11: {  	[smem:$0x3FB6] =	sst s9;
	s0 =	simm.s32 @!p0 $0x0  }
0x12: {  	s1 =	sld [smem:$0x3F9C];
	s0 =	simm.s32 @p0 $0x1  }
0x13: {  	[smem:$0x3FB7] =	sst s0;
	s0 =	simm.s32 @!p1 $0x0  }
0x14: {  	s2 =	sld [smem:$0x3F9B];
	s0 =	simm.s32 @p1 $0x1  }
0x15: {  	[smem:$0x3FB8] =	sst s0;
	s0 =	simm.s32 @!p2 $0x0  }
0x16: {  	s3 =	sld [smem:$0x3FDB];
	s0 =	simm.s32 @p2 $0x1  }
0x17: {  	s4 =	simm.s32 $0x1BF5;
	[smem:$0x3FBA] =	sst s0  }
0x18: {  	s0 =	sld [smem:$0x3F9D];
	_ =	swait.ge [sflag:s4], $0x0  }
0x19: {  	s7 =	sld [smem:$0x3F9E]  }
0x1a: {  	s8 =	sadd.s32 $0xFFFFE003, lr  }
0x1b: {  	s9 =	sadd.s32 $0xFFFFFEF7, lr;
	s5 =	simm.s32 $0xFFFFFFFF;
	p2 =	slt.u32 s8, $0xFFFFF086  }
0x1c: {  	p1 =	slt.u32 s9, $0xF7A;
	s5 =	simm.s32 @!p2 $0x0  }
0x1d: {  	s5 =	simm.s32 @p1 $0x1;
	p0 =	seq.s32 s7, s2  }
0x1e: {  	s7 =	smul.u32 @!p0 $0xF7A, s2;
	p2 =	seq.s32 @!p0 s5, $0x0  }
0x1f: {  	s9 =	smul.u32 $0xF7A, s1;
	s8 =	simm.s32 @!p0 $0x1BF5;
	p2 =	por !p2, p0  }
0x20: {  	[sflag:s8] =	ssyncset.s32 @!p0 $0xFFFFF086;
	s6 =	sadd.s32 @!p0 s3, s7;
	s7 =	simm.s32 @!p0 $0x108  }
0x21: {  	s3 =	sadd.s32 s3, s9;
	s6 =	sadd.s32 @!p0 $0x88, s6;
	s7 =	simm.s32 @p2 $0x1082  }
0x22: {  	[simem:s7], [sflag:s8] =	dma.local @!p0 [hbm:s6], $0xF7A  }
0x23: {  	s9 =	sor.u32 $0xD0000000, s2;
	s6 =	simm.s32 $0x108;
	_ =	swait.ge @!p0 [sflag:s8], $0x0  }
0x24: {  	s3 =	sadd.s32 $0x88, s3;
	s6 =	simm.s32 @!p1 $0x1082;
	[sflag:s4] =	ssyncset.s32 $0xFFFFF086  }
0x25: {  	[simem:s6], [sflag:s4] =	dma.local [hbm:s3], $0xF7A  }
0x26: {  	[smem:$0x3F9E] =	sst s1;
	(tag) =	ssettag s2;
	_ =	strace s9  }
0x27: {  	s1 =	sld [smem:$0x3FAE]  }
0x28: {  	s2 =	sld [smem:$0x3FAF]  }
0x29: {  	s4 =	sld [smem:$0x3FB1]  }
0x2a: {  	p0 =	seq.s32 s5, $0x0;
	s5 =	sld [smem:$0x3FB2]  }
0x2b: {  	s6 =	sld [smem:$0x3FB3]  }
0x2c: {  	s7 =	sld [smem:$0x3FB4]  }
0x2d: {  	s3 =	simm.s32 $0x108;
	s8 =	sld [smem:$0x3FB5]  }
0x2e: {  	s3 =	simm.s32 @!p0 $0x1082;
	s9 =	sld [smem:$0x3FB6]  }
0x2f: {  	lr =	sadd.s32 s0, s3;
	s0 =	sld [smem:$0x3FAD]  }
0x30: {  	s3 =	sld [smem:$0x3FB0]  }
0x31: {  	[smem:$0x3FB9] =	sst s10  }
0x32: {  	s10 =	sld [smem:$0x3FB7];
	_ =	sdelay $0x3  }
0x33: {  	p0 =	seq.s32 s10, $0x1;
	s10 =	sld [smem:$0x3FB9];
	_ =	sdelay $0x3  }
0x34: {  	[smem:$0x3FB9] =	sst s10  }
0x35: {  	s10 =	sld [smem:$0x3FB8];
	_ =	sdelay $0x3  }
0x36: {  	p1 =	seq.s32 s10, $0x1;
	s10 =	sld [smem:$0x3FB9];
	_ =	sdelay $0x3  }
0x37: {  	[smem:$0x3FB9] =	sst s10  }
0x38: {  	s10 =	sld [smem:$0x3FBA]  }
0x39: {  	_ = 	snop;
	(pc) =	sbr.ind lr, $3  }
0x3a: {  	_ = 	snop  }
0x3b: {  	_ = 	snop  }
0x3c: {  	p2 =	seq.s32 s10, $0x1;
	s10 =	sld [smem:$0x3FB9]  }
0x3d: {  	_ =	shalt  }
0x3e: {  	_ =	shalt  }
0x3f: {  	_ =	shalt  }
0x40: {  	_ =	shalt  }
0x41: {  	_ =	shalt  }
0x42: {  	_ =	shalt  }
0x43: {  	_ =	shalt  }
0x44: {  	_ =	shalt  }
0x45: {  	_ =	shalt  }
0x46: {  	_ =	shalt  }
0x47: {  	_ =	shalt  }
0x48: {  	_ =	shalt  }
0x49: {  	_ =	shalt  }
0x4a: {  	_ =	shalt  }
0x4b: {  	_ =	shalt  }
0x4c: {  	_ =	shalt  }
0x4d: {  	_ =	shalt  }
0x4e: {  	_ =	shalt  }
0x4f: {  	_ =	shalt  }
0x50: {  	_ =	shalt  }
0x51: {  	_ =	shalt  }
0x52: {  	_ =	shalt  }
0x53: {  	_ =	shalt  }
0x54: {  	_ =	shalt  }
0x55: {  	_ =	shalt  }
0x56: {  	_ =	shalt  }
0x57: {  	_ =	shalt  }
0x58: {  	_ =	shalt  }
0x59: {  	_ =	shalt  }
0x5a: {  	_ =	shalt  }
0x5b: {  	_ =	shalt  }
0x5c: {  	_ =	shalt  }
0x5d: {  	_ =	shalt  }
0x5e: {  	_ =	shalt  }
0x5f: {  	_ =	shalt  }
0x60: {  	_ =	shalt  }
0x61: {  	_ =	shalt  }
0x62: {  	_ =	shalt  }
0x63: {  	_ =	shalt  }
0x64: {  	_ =	shalt  }
0x65: {  	_ =	shalt  }
0x66: {  	_ =	shalt  }
0x67: {  	_ =	shalt  }
0x68: {  	_ =	shalt  }
0x69: {  	_ =	shalt  }
0x6a: {  	_ =	shalt  }
0x6b: {  	_ =	shalt  }
0x6c: {  	_ =	shalt  }
0x6d: {  	_ =	shalt  }
0x6e: {  	_ =	shalt  }
0x6f: {  	_ =	shalt  }
0x70: {  	_ =	shalt  }
0x71: {  	_ =	shalt  }
0x72: {  	_ =	shalt  }
0x73: {  	_ =	shalt  }
0x74: {  	_ =	shalt  }
0x75: {  	_ =	shalt  }
0x76: {  	_ =	shalt  }
0x77: {  	_ =	shalt  }
0x78: {  	_ =	shalt  }
0x79: {  	_ =	shalt  }
0x7a: {  	_ =	shalt  }
0x7b: {  	_ =	shalt  }
0x7c: {  	_ =	shalt  }
0x7d: {  	_ =	shalt  }
0x7e: {  	_ =	shalt  }
0x7f: {  	_ =	shalt  }
0x80: {  	_ =	shalt  }
0x81: {  	_ =	shalt  }
0x82: {  	_ =	shalt  }
0x83: {  	_ =	shalt  }
0x84: {  	_ =	shalt  }
0x85: {  	_ =	shalt  }
0x86: {  	_ =	shalt  }
0x87: {  	_ =	shalt  }
.Lfunc_end0:
.L_simem_size_0:
called_computation_lowered:
.L_overlay_start_0:
0x88: {  	s2 =	sld [smem:$0x3FD9]  }
0x89: {  	s3 =	sld [smem:$0x3FFE];
	_ =	sdelay $0x1  }
0x8a: {  	s1 =	srdreg.scid  }
0x8b: {  	s0 =	sand.u32 $0x1, s1  }
0x8c: {  	s17 =	sshll.u32 s0, $0xA;
	s2 =	sadd.s32 s3, s2  }
0x8d: {  	s2 =	sadd.s32 s2, s17  }
0x8e: {  	[smem:$0x3FC5] =	sst s2  }
0x8f: {  	_ = 	snop  }
0x90: {  	s2 =	sld [smem:$0x3FD0];
	(tm) =	ssettm $0x1  }
0x91: {  	s18 =	sld [smem:$0x3FFB];
	_ =	sdelay $0x3  }
0x92: {  	_ =	strace s18  }
0x93: {  	s3 =	sld [smem:$0x3FFC];
	_ =	sdelay $0x3  }
0x94: {  	_ =	strace s3  }
0x95: {  	s3 =	sld [smem:$0x3FFD];
	_ =	sdelay $0x3  }
0x96: {  	_ =	strace s3  }
0x97: {  	_ =	strace $0x8FFFFFFF  }
0x98: {  	s19 =	sld [smem:$0x3FDB];
	_ =	sdelay $0x1  }
0x99: {  	s4 =	simm.s32 $_scs_section_size  }
0x9a: {  	s5 =	simm.s32 $_size__tile_overlayer_lowered;
	s6 =	simm.s32 $_tile_overlayer_lowered  }
0x9b: {  	s22 =	simm.s32 $0x1BFF;
	s21 =	sshll.u32 s6, $0x1;
	s3 =	sadd.s32 s4, s19  }
0x9c: {  	s7 =	simm.s32 $0x0;
	s20 =	sshll.u32 s5, $0x1;
	s5 =	sadd.s32 s21, s3  }
0x9d: {  	[timem:s7], [sflag:s22] =	dma.local [hbm:s5], s20  }
0x9e: {  	_ =	swait.ge [sflag:s22], s20  }
0x9f: {  	s4 =	ssub.s32 $0x0, s20;
	[sflag:s22] =	ssyncset.done $0x0  }
0xa0: {  	[sflag:s22] =	ssyncadd.s32 s4;
	_ =	sdelay $0x1  }
0xa1: {  	s23 =	simm.s32 $0x1B8B  }
0xa2: {  	_ =	swait.ge [sflag:s23], $0x1  }
0xa3: {  	[sflag:s23] =	ssyncset.done $0x0  }
0xa4: {  	s25 =	simm.s32 $0x1B8E;
	s24 =	sld [smem:$0x3FFE];
	[sflag:s23] =	ssyncadd.s32 $0xFFFFFFFF  }
0xa5: {  	s26 =	simm.s32 $execute0_lowered;
	[smem:$0x3FD2] =	sst s25  }
0xa6: {  	s5 =	sshll.u32 s26, $0x1;
	_ =	strace $0x80000046;
	[dreg:$0x1] =	wrdreg $0xFFFFFFFF  }
0xa7: {  	s28 =	simm.s32 $_size_execute0_lowered;
	s3 =	sadd.s32 s3, s5;
	[dreg:$0x0] =	wrdreg $0x0  }
0xa8: {  	s5 =	sshll.u32 s28, $0x1;
	[dreg:$0x2] =	wrdreg s3  }
0xa9: {  	[dreg:$0x3] =	wrdreg s5  }
0xaa: {  	[dreg:$0x4] =	wrdreg $0xC0  }
0xab: {  	_ =	task [dreg:s7], $0x5FFFF  }
0xac: {  	[dreg:$0x1] =	wrdreg $0xFFFFFFFF  }
0xad: {  	[dreg:$0x0] =	wrdreg $0x60  }
0xae: {  	[dreg:$0x2] =	wrdreg s24  }
0xaf: {  	[dreg:$0x3] =	wrdreg s2  }
0xb0: {  	[dreg:$0x4] =	wrdreg $0x9  }
0xb1: {  	_ =	task.clear_ibuf [dreg:s7], $0x5FFFF;
	_ =	strace $0x90000046  }
0xb2: {  	s29 =	simm.s32 $0x9;
	_ =	strace $0x80000048  }
0xb3: {  	_ =	swait.ge [sflag:s29], $0x1  }
0xb4: {  	[sflag:s29] =	ssyncadd.s32 $0xFFFFFFFF  }
0xb5: {  	_ =	strace $0x90000048  }
0xb6: {  	_ =	sfence  }
0xb7: {  	s30 =	sld [smem:$0x0];
	_ =	sdelay $0x2  }
0xb8: {  	s31 =	sshll.u32 s1, $0xD;
	s1 =	sshrl.u32 s1, $0x2  }
0xb9: {  	s3 =	sand.u32 $0x4000, s31;
	s1 =	sadd.s32 s1, s30  }
0xba: {  	s0 =	sor.u32 s3, s0;
	s1 =	sshll.u32 s1, $0x11  }
0xbb: {  	s0 =	sor.u32 s1, s0  }
0xbc: {  	s0 =	sadd.s32 $0x8F2B, s0  }
0xbd: {  	[sflag:s0] =	ssyncadd.remote.s32 $0x1  }
0xbe: {  	_ =	sfence.sel $0xFFFF  }
0xbf: {  	[dreg:$0x0] =	wrdreg $0xFFFFFFFF;
	(pc) =	sbr.abs _section_cstart, $3  }
0xc0: {  	[dreg:$0x1] =	wrdreg $0xFFFFFFFF  }
0xc1: {  	_ =	task.clear_ibuf [dreg:s7], $0x2FFFF;
	_ =	strace $0x9FFFFFFF  }
0xc2: {  	(tm) =	ssettm $0x7FFFFFFF  }
0xc3: {  	_ =	shalt  }
tec
execute0_lowered:
.L_overlay_start_1:
0x0: {  	(tag) =	ssettag $0x1  }
0x1: {  	s0 =	srdreg.scid;
	s1 =	rddreg [dreg:$0x0]  }
0x2: {  	s2 =	rddreg [dreg:$0x1];
	s4 =	stileid.u32;
	s5 =	simm.s32 $0x0  }
0x3: {  	s9 =	simm.s32 $0x80;
	s11 =	simm.s32 $0x9;
	s12 =	simm.s32 $0x9610  }
0x4: {  	s13 =	simm.s32 $0xB610;
	s15 =	simm.s32 $0xD610;
	s17 =	simm.s32 $0xF610  }
0x5: {  	s18 =	simm.s32 $0x1;
	s19 =	simm.s32 $0x400;
	s20 =	simm.s32 $0x8000  }
0x6: {  	s21 =	simm.s32 $0x11610;
	s22 =	simm.s32 $0x2;
	s23 =	simm.s32 $0x13610  }
0x7: {  	s24 =	simm.s32 $0x3;
	s25 =	simm.s32 $0x15610;
	s0 =	sand.u32 $0x1, s0  }
0x8: {  	s26 =	simm.s32 $0x4;
	s3 =	sshll.u32 s0, $0x4;
	s0 =	ssub.s32 $0x2, s0  }
0x9: {  	v0 =	vlaneseq.u32;
	[smem:$0x7FF] =	sst s5;
	s3 =	sor.u32 s4, s3;
	s6 =	sshrl.u32 s0, $0x1  }
.Ltmp0:
0xa: {  	v0 =	vmul.u32 $0x40, v0;
	s4 =	sshll.u32 s3, $0x4;
	s0 =	ssub.s32 s0, s6;
	(pc) =	sbr.rel .LBB2_1-.Ltmp0, $4  }
0xb: {  	s30 =	sadd.s32 s4, s1;
	s4 =	sadd.s32 $0x19C00, s1;
	s1 =	sadd.s32 $0x400, s1  }
0xc: {  	_ =	strace $0x80000047;
	v1 =	vor.u32 $0x400, v0;
	s0 =	smax.u32 s0, $0x1;
	[dreg:$0x3] =	wrdreg s1  }
0xd: {  	s28 =	simm.s32 $0x17610;
	v2 =	vor.u32 $0x800, v0;
	v3 =	vor.u32 $0xC00, v0;
	v4 =	vor.u32 $0x1000, v0;
	s31 =	sadd.s32 $0xC00, s30;
	[dreg:$0x5] =	wrdreg s0  }
0xe: {  	v5 =	vor.u32 $0x1400, v0;
	v6 =	vor.u32 $0x1800, v0;
	v7 =	vor.u32 $0x1C00, v0;
	s7 =	sshll.u32 s3, $0xA;
	s1 =	simm.s32 $0x0;
	[dreg:$0x4] =	wrdreg s31  }
.LBB2_12:
0xf: {  	s0 =	simm.s32 $0x5  }
0x10: {  	_ =	swait.ge [sflag:s0], $0x2000  }
0x11: {  	[sflag:s0] =	ssyncset.done $0x0  }
0x12: {  	s29 =	simm.s32 $0x6;
	[sflag:s0] =	ssyncadd.s32 $0xFFFFE000  }
0x13: {  	_ =	swait.ge [sflag:s29], $0x2000  }
0x14: {  	[sflag:s29] =	ssyncset.done $0x0  }
0x15: {  	s30 =	simm.s32 $0x7;
	[sflag:s29] =	ssyncadd.s32 $0xFFFFE000  }
0x16: {  	_ =	swait.ge [sflag:s30], $0x2000  }
0x17: {  	[sflag:s30] =	ssyncset.done $0x0  }
0x18: {  	s3 =	simm.s32 $0x8;
	[sflag:s30] =	ssyncadd.s32 $0xFFFFE000  }
0x19: {  	_ =	swait.ge [sflag:s3], $0x2000  }
0x1a: {  	s1 =	sadd.s32 $0x1, s1;
	s31 =	rddreg [dreg:$0x5]  }
0x1b: {  	p0 =	sne.s32 s1, s31  }
.Ltmp1:
0x1c: {  	_ = 	snop;
	(pc) =	sbr.rel @!p0 .LBB2_13-.Ltmp1, $3  }
0x1d: {  	_ =	sdelay $0x1  }
0x1e: {  	[sflag:s3] =	ssyncset.done $0x0  }
0x1f: {  	[sflag:s3] =	ssyncadd.s32 $0xFFFFE000  }
.LBB2_1:
0x20: {  	s0 =	simm.s32 $0x0;
	s3 =	rddreg [dreg:$0x4];
	s5 =	simm.s32 $0x1000  }
0x21: {  	[tilespmem:s0], [sflag:$0x9] =	stream.strided.gather [hbm4b:s3+s9], $0x6400, s5, s9, $0x38;
	[tilespmem:$0x19610] =	vst v63  }
0x22: {  	_ =	swait.ge [sflag:s11], $0x6400  }
0x23: {  	[sflag:s11] =	ssyncset.done $0x0  }
0x24: {  	s10 =	simm.s32 $0x6400;
	s16 =	rddreg [dreg:$0x3];
	[sflag:s11] =	ssyncadd.s32 $0xFFFF9C00  }
0x25: {  	[tilespmem:s10], [sflag:$0x9] =	stream.linear.gather [hbm4b:s16+s0], $0x3200, $0x38;
	[tilespmem:$0x19610] =	vst v63  }
0x26: {  	_ =	swait.ge [sflag:s11], $0x3200  }
0x27: {  	[sflag:s11] =	ssyncset.done $0x0  }
0x28: {  	[sflag:s11] =	ssyncadd.s32 $0xFFFFCE00  }
0x29: {  	[tilespmem:s12], [sflag:$0x1] =	stream.indirect.gather [hbm4b:s4+s9], $0x40, s0, s9, $0xb8;
	[tilespmem:$0x19610] =	vst v63  }
0x2a: {  	_ = 	snop  }
0x2b: {  	[tilespmem:s13], [sflag:$0x2] =	stream.indirect.gather [hbm4b:s4+s9], $0x40, s9, s9, $0xb8;
	[tilespmem:$0x19610] =	vst v63  }
0x2c: {  	s29 =	simm.s32 $0x100;
	s30 =	simm.s32 $0x180;
	s31 =	simm.s32 $0x6440  }
0x2d: {  	[tilespmem:s15], [sflag:$0x3] =	stream.indirect.gather [hbm4b:s4+s9], $0x40, s29, s9, $0xb8;
	[tilespmem:$0x19610] =	vst v63  }
0x2e: {  	s6 =	simm.s32 $0x0;
	s5 =	simm.s32 $0x64C0;
	s16 =	simm.s32 $0x6480  }
0x2f: {  	[tilespmem:s17], [sflag:$0x4] =	stream.indirect.gather [hbm4b:s4+s9], $0x40, s30, s9, $0xb8;
	[tilespmem:$0x19610] =	vst v63  }
.LBB2_2:
0x30: {  	s0 =	simm.s32 $0x0  }
0x31: {  	v8 =	vmov s0  }
0x32: {  	v8 =	vand.u32 $0x3F, v8  }
0x33: {  	_ =	swait.ge [sflag:s18], $0x2000;
	v9 =	vbroadcast v8, $0x0  }
0x34: {  	p0 =	seq.s32 s6, $0x0;
	[sflag:s18] =	ssyncset.done $0x0  }
0x35: {  	s0 =	simm.s32 @!p0 $0x5;
	[sflag:s18] =	ssyncadd.s32 $0xFFFFE000;
	v10 =	vor.u32 v0, v9  }
0x36: {  	_ =	swait.ge @!p0 [sflag:s0], $0x2000  }
0x37: {  	[sflag:s0] =	ssyncset.done @!p0 $0x0  }
0x38: {  	[sflag:s0] =	ssyncadd.s32 @!p0 $0xFFFFE000  }
0x39: {  	v8 =	vld.msk [tilespmem:s10+$0x0 ss:$0x0], $0xffff  }
0x3a: {  	v10 =	vld.idx.msk [tilespmem:v10+s12+$0x0], $0xffff;
	_ =	sdelay $0x2  }
0x3b: {  	v11 =	vor.u32 v1, v9;
	_ =	sdelay $0x1  }
0x3c: {  	v10 =	vadd.f32 v8, v10  }
0x3d: {  	s3 =	simm.s32 $0x11650  }
0x3e: {  	[tilespmem:s3+$0xFFFFFFC0] =	vst v10  }
0x3f: {  	v10 =	vld.idx.msk [tilespmem:v11+s12+$0x0], $0xffff;
	_ =	sdelay $0x2  }
0x40: {  	v11 =	vor.u32 v2, v9;
	_ =	sdelay $0x1  }
0x41: {  	v10 =	vadd.f32 v10, v8;
	_ =	sdelay $0x1  }
0x42: {  	[tilespmem:s3+$0xFFFFFFD0] =	vst v10  }
0x43: {  	v10 =	vld.idx.msk [tilespmem:v11+s12+$0x0], $0xffff;
	_ =	sdelay $0x2  }
0x44: {  	v11 =	vor.u32 v3, v9;
	_ =	sdelay $0x1  }
0x45: {  	v10 =	vadd.f32 v10, v8;
	_ =	sdelay $0x1  }
0x46: {  	[tilespmem:s3+$0xFFFFFFE0] =	vst v10  }
0x47: {  	v10 =	vld.idx.msk [tilespmem:v11+s12+$0x0], $0xffff;
	_ =	sdelay $0x2  }
0x48: {  	v11 =	vor.u32 v4, v9;
	_ =	sdelay $0x1  }
0x49: {  	v10 =	vadd.f32 v10, v8;
	_ =	sdelay $0x1  }
0x4a: {  	[tilespmem:s3+$0xFFFFFFF0] =	vst v10  }
0x4b: {  	v10 =	vld.idx.msk [tilespmem:v11+s12+$0x0], $0xffff;
	_ =	sdelay $0x2  }
0x4c: {  	v11 =	vor.u32 v5, v9;
	_ =	sdelay $0x1  }
0x4d: {  	v10 =	vadd.f32 v10, v8;
	_ =	sdelay $0x1  }
0x4e: {  	[tilespmem:s3+$0x0] =	vst v10  }
0x4f: {  	v10 =	vld.idx.msk [tilespmem:v11+s12+$0x0], $0xffff;
	_ =	sdelay $0x2  }
0x50: {  	v11 =	vor.u32 v6, v9;
	_ =	sdelay $0x1  }
0x51: {  	v10 =	vadd.f32 v10, v8;
	_ =	sdelay $0x1  }
0x52: {  	[tilespmem:s3+$0x10] =	vst v10  }
0x53: {  	v10 =	vld.idx.msk [tilespmem:v11+s12+$0x0], $0xffff;
	_ =	sdelay $0x2  }
0x54: {  	v9 =	vor.u32 v7, v9;
	_ =	sdelay $0x1  }
0x55: {  	v10 =	vadd.f32 v10, v8;
	_ =	sdelay $0x1  }
0x56: {  	s30 =	simm.s32 $0x1;
	[tilespmem:s3+$0x20] =	vst v10  }
0x57: {  	s8 =	sshll.u32 s6, $0x2;
	s14 =	simm.s32 $0x2;
	s29 =	smov.u32 s10;
	v10 =	vmov s30;
	v9 =	vld.idx.msk [tilespmem:v9+s12+$0x0], $0xffff  }
.LBB2_3:
0x58: {  	p1 =	sne.s32 s14, $0x3F;
	v10 =	vand.u32 $0x3F, v10  }
0x59: {  	v10 =	vbroadcast v10, $0x0;
	_ =	sdelay $0x1  }
0x5a: {  	v11 =	vor.u32 v0, v10  }
0x5b: {  	v8 =	vadd.f32 v9, v8;
	_ =	sdelay $0x1  }
0x5c: {  	s29 =	sadd.s32 $0x1, s29;
	[tilespmem:s3+$0x30] =	vst v8  }
0x5d: {  	v8 =	vld.msk [tilespmem:s29+$0x0 ss:$0x0], $0xffff  }
0x5e: {  	v9 =	vld.idx.msk [tilespmem:v11+s12+$0x0], $0xffff;
	_ =	sdelay $0x3  }
0x5f: {  	v11 =	vor.u32 v1, v10;
	_ =	sdelay $0x1  }
0x60: {  	v9 =	vadd.f32 v8, v9  }
0x61: {  	s3 =	sadd.s32 $0x80, s3  }
0x62: {  	[tilespmem:s3+$0xFFFFFFC0] =	vst v9  }
0x63: {  	v9 =	vld.idx.msk [tilespmem:v11+s12+$0x0], $0xffff;
	_ =	sdelay $0x3  }
0x64: {  	v11 =	vor.u32 v2, v10;
	_ =	sdelay $0x1  }
0x65: {  	v9 =	vadd.f32 v9, v8;
	_ =	sdelay $0x1  }
0x66: {  	[tilespmem:s3+$0xFFFFFFD0] =	vst v9  }
0x67: {  	v9 =	vld.idx.msk [tilespmem:v11+s12+$0x0], $0xffff;
	_ =	sdelay $0x3  }
0x68: {  	v11 =	vor.u32 v3, v10;
	_ =	sdelay $0x1  }
0x69: {  	v9 =	vadd.f32 v9, v8;
	_ =	sdelay $0x1  }
0x6a: {  	[tilespmem:s3+$0xFFFFFFE0] =	vst v9  }
0x6b: {  	v9 =	vld.idx.msk [tilespmem:v11+s12+$0x0], $0xffff;
	_ =	sdelay $0x3  }
0x6c: {  	v11 =	vor.u32 v4, v10;
	_ =	sdelay $0x1  }
0x6d: {  	v9 =	vadd.f32 v9, v8;
	_ =	sdelay $0x1  }
0x6e: {  	[tilespmem:s3+$0xFFFFFFF0] =	vst v9  }
0x6f: {  	v9 =	vld.idx.msk [tilespmem:v11+s12+$0x0], $0xffff;
	_ =	sdelay $0x3  }
0x70: {  	v11 =	vor.u32 v5, v10;
	_ =	sdelay $0x1  }
0x71: {  	v9 =	vadd.f32 v9, v8;
	_ =	sdelay $0x1  }
0x72: {  	[tilespmem:s3+$0x0] =	vst v9  }
0x73: {  	v9 =	vld.idx.msk [tilespmem:v11+s12+$0x0], $0xffff;
	_ =	sdelay $0x3  }
0x74: {  	v11 =	vor.u32 v6, v10;
	_ =	sdelay $0x1  }
0x75: {  	v9 =	vadd.f32 v9, v8;
	_ =	sdelay $0x1  }
0x76: {  	[tilespmem:s3+$0x10] =	vst v9  }
0x77: {  	v9 =	vld.idx.msk [tilespmem:v11+s12+$0x0], $0xffff;
	_ =	sdelay $0x3  }
0x78: {  	v10 =	vor.u32 v7, v10;
	_ =	sdelay $0x1  }
.Ltmp2:
0x79: {  	v9 =	vadd.f32 v9, v8;
	(pc) =	sbr.rel @p1 .LBB2_3-.Ltmp2, $4  }
0x7a: {  	_ = 	snop  }
0x7b: {  	[tilespmem:s3+$0x20] =	vst v9  }
0x7c: {  	v9 =	vld.idx.msk [tilespmem:v10+s12+$0x0], $0xffff  }
0x7d: {  	v10 =	vmov s14;
	s14 =	sadd.s32 $0x1, s14  }
0x7e: {  	v10 =	vand.u32 $0x3F, v10  }
0x7f: {  	v10 =	vbroadcast v10, $0x0;
	_ =	sdelay $0x1  }
0x80: {  	v11 =	vor.u32 v0, v10  }
0x81: {  	v8 =	vadd.f32 v9, v8;
	_ =	sdelay $0x1  }
0x82: {  	s0 =	sadd.s32 $0x1, s29;
	[tilespmem:s3+$0x30] =	vst v8  }
0x83: {  	v8 =	vld.msk [tilespmem:s0+$0x0 ss:$0x0], $0xffff  }
0x84: {  	v9 =	vld.idx.msk [tilespmem:v11+s12+$0x0], $0xffff;
	_ =	sdelay $0x2  }
0x85: {  	v11 =	vor.u32 v1, v10;
	_ =	sdelay $0x1  }
0x86: {  	v9 =	vadd.f32 v8, v9  }
0x87: {  	s0 =	sadd.s32 $0x80, s3  }
0x88: {  	[tilespmem:s0+$0xFFFFFFC0] =	vst v9  }
0x89: {  	v9 =	vld.idx.msk [tilespmem:v11+s12+$0x0], $0xffff;
	_ =	sdelay $0x2  }
0x8a: {  	v11 =	vor.u32 v2, v10;
	_ =	sdelay $0x1  }
0x8b: {  	v9 =	vadd.f32 v9, v8;
	_ =	sdelay $0x1  }
0x8c: {  	[tilespmem:s0+$0xFFFFFFD0] =	vst v9  }
0x8d: {  	v9 =	vld.idx.msk [tilespmem:v11+s12+$0x0], $0xffff;
	_ =	sdelay $0x2  }
0x8e: {  	v11 =	vor.u32 v3, v10;
	_ =	sdelay $0x1  }
0x8f: {  	v9 =	vadd.f32 v9, v8;
	_ =	sdelay $0x1  }
0x90: {  	[tilespmem:s0+$0xFFFFFFE0] =	vst v9  }
0x91: {  	v9 =	vld.idx.msk [tilespmem:v11+s12+$0x0], $0xffff;
	_ =	sdelay $0x2  }
0x92: {  	v11 =	vor.u32 v4, v10;
	_ =	sdelay $0x1  }
0x93: {  	v9 =	vadd.f32 v9, v8;
	_ =	sdelay $0x1  }
0x94: {  	[tilespmem:s0+$0xFFFFFFF0] =	vst v9  }
0x95: {  	v9 =	vld.idx.msk [tilespmem:v11+s12+$0x0], $0xffff;
	_ =	sdelay $0x2  }
0x96: {  	v11 =	vor.u32 v5, v10;
	_ =	sdelay $0x1  }
0x97: {  	v9 =	vadd.f32 v9, v8;
	_ =	sdelay $0x1  }
0x98: {  	[tilespmem:s0+$0x0] =	vst v9  }
0x99: {  	v9 =	vld.idx.msk [tilespmem:v11+s12+$0x0], $0xffff;
	_ =	sdelay $0x2  }
0x9a: {  	v11 =	vor.u32 v6, v10;
	_ =	sdelay $0x1  }
0x9b: {  	v9 =	vadd.f32 v9, v8;
	_ =	sdelay $0x1  }
0x9c: {  	[tilespmem:s0+$0x10] =	vst v9  }
0x9d: {  	v9 =	vld.idx.msk [tilespmem:v11+s12+$0x0], $0xffff;
	_ =	sdelay $0x2  }
0x9e: {  	v10 =	vor.u32 v7, v10;
	_ =	sdelay $0x1  }
0x9f: {  	v9 =	vadd.f32 v9, v8;
	_ =	sdelay $0x1  }
0xa0: {  	[tilespmem:s0+$0x20] =	vst v9  }
0xa1: {  	v9 =	vld.idx.msk [tilespmem:v10+s12+$0x0], $0xffff;
	_ =	sdelay $0x3  }
0xa2: {  	s14 =	sshll.u32 s6, $0x14  }
0xa3: {  	s3 =	sor.u32 s7, s14;
	v8 =	vadd.f32 v9, v8  }
0xa4: {  	p1 =	seq.s32 s6, $0x31;
	s3 =	sshrl.u32 s3, $0x3  }
0xa5: {  	s3 =	sadd.s32 s2, s3;
	[tilespmem:s0+$0x30] =	vst v8;
	s0 =	sshll.u32 @!p1 s6, $0x9  }
0xa6: {  	[hbm4b:s3+s19] =	stream.strided.scatter [tilespmem:s21], [sflag:$0x5], $0x2000, s20, s19, $0x38;
	[tilespmem:$0x19610] =	vst v63  }
0xa7: {  	s3 =	sand.u32 @!p1 $0x3FFFFE00, s0;
	s0 =	simm.s32 $0x0  }
0xa8: {  	s29 =	simm.s32 @!p1 $0x80;
	s30 =	simm.s32 @!p1 $0x9610;
	s14 =	sadd.s32 @!p1 $0x200, s3;
	v8 =	vmov s0  }
0xa9: {  	[tilespmem:s30], [sflag:$0x1] =	stream.indirect.gather @!p1 [hbm4b:s4+s29], $0x40, s14, s29, $0xb8;
	v8 =	vand.u32 $0x3F, v8;
	[tilespmem:$0x19610] =	vst v63  }
0xaa: {  	_ =	swait.ge [sflag:s22], $0x2000;
	v9 =	vbroadcast v8, $0x0  }
0xab: {  	[sflag:s22] =	ssyncset.done $0x0  }
0xac: {  	s0 =	simm.s32 @!p0 $0x6;
	[sflag:s22] =	ssyncadd.s32 $0xFFFFE000;
	v10 =	vor.u32 v0, v9  }
0xad: {  	_ =	swait.ge @!p0 [sflag:s0], $0x2000  }
0xae: {  	[sflag:s0] =	ssyncset.done @!p0 $0x0  }
0xaf: {  	[sflag:s0] =	ssyncadd.s32 @!p0 $0xFFFFE000  }
0xb0: {  	v8 =	vld.msk [tilespmem:s31+$0x0 ss:$0x0], $0xffff  }
0xb1: {  	v10 =	vld.idx.msk [tilespmem:v10+s13+$0x0], $0xffff;
	_ =	sdelay $0x2  }
0xb2: {  	v11 =	vor.u32 v1, v9;
	_ =	sdelay $0x1  }
0xb3: {  	v10 =	vadd.f32 v8, v10  }
0xb4: {  	s30 =	simm.s32 $0x13650  }
0xb5: {  	[tilespmem:s30+$0xFFFFFFC0] =	vst v10  }
0xb6: {  	v10 =	vld.idx.msk [tilespmem:v11+s13+$0x0], $0xffff;
	_ =	sdelay $0x2  }
0xb7: {  	v11 =	vor.u32 v2, v9;
	_ =	sdelay $0x1  }
0xb8: {  	v10 =	vadd.f32 v10, v8;
	_ =	sdelay $0x1  }
0xb9: {  	[tilespmem:s30+$0xFFFFFFD0] =	vst v10  }
0xba: {  	v10 =	vld.idx.msk [tilespmem:v11+s13+$0x0], $0xffff;
	_ =	sdelay $0x2  }
0xbb: {  	v11 =	vor.u32 v3, v9;
	_ =	sdelay $0x1  }
0xbc: {  	v10 =	vadd.f32 v10, v8;
	_ =	sdelay $0x1  }
0xbd: {  	[tilespmem:s30+$0xFFFFFFE0] =	vst v10  }
0xbe: {  	v10 =	vld.idx.msk [tilespmem:v11+s13+$0x0], $0xffff;
	_ =	sdelay $0x2  }
0xbf: {  	v11 =	vor.u32 v4, v9;
	_ =	sdelay $0x1  }
0xc0: {  	v10 =	vadd.f32 v10, v8;
	_ =	sdelay $0x1  }
0xc1: {  	[tilespmem:s30+$0xFFFFFFF0] =	vst v10  }
0xc2: {  	v10 =	vld.idx.msk [tilespmem:v11+s13+$0x0], $0xffff;
	_ =	sdelay $0x2  }
0xc3: {  	v11 =	vor.u32 v5, v9;
	_ =	sdelay $0x1  }
0xc4: {  	v10 =	vadd.f32 v10, v8;
	_ =	sdelay $0x1  }
0xc5: {  	[tilespmem:s30+$0x0] =	vst v10  }
0xc6: {  	v10 =	vld.idx.msk [tilespmem:v11+s13+$0x0], $0xffff;
	_ =	sdelay $0x2  }
0xc7: {  	v11 =	vor.u32 v6, v9;
	_ =	sdelay $0x1  }
0xc8: {  	v10 =	vadd.f32 v10, v8;
	_ =	sdelay $0x1  }
0xc9: {  	[tilespmem:s30+$0x10] =	vst v10  }
0xca: {  	v10 =	vld.idx.msk [tilespmem:v11+s13+$0x0], $0xffff;
	_ =	sdelay $0x2  }
0xcb: {  	v9 =	vor.u32 v7, v9;
	_ =	sdelay $0x1  }
0xcc: {  	v10 =	vadd.f32 v10, v8;
	_ =	sdelay $0x1  }
0xcd: {  	s14 =	simm.s32 $0x1;
	[tilespmem:s30+$0x20] =	vst v10  }
0xce: {  	s29 =	sor.u32 $0x1, s8;
	s0 =	simm.s32 $0x2;
	v10 =	vmov s14;
	s14 =	smov.u32 s31;
	v9 =	vld.idx.msk [tilespmem:v9+s13+$0x0], $0xffff  }
.LBB2_5:
0xcf: {  	p2 =	sne.s32 s0, $0x3F;
	v10 =	vand.u32 $0x3F, v10  }
0xd0: {  	v10 =	vbroadcast v10, $0x0;
	_ =	sdelay $0x1  }
0xd1: {  	v11 =	vor.u32 v0, v10  }
0xd2: {  	v8 =	vadd.f32 v9, v8;
	_ =	sdelay $0x1  }
0xd3: {  	s14 =	sadd.s32 $0x1, s14;
	[tilespmem:s30+$0x30] =	vst v8  }
0xd4: {  	v8 =	vld.msk [tilespmem:s14+$0x0 ss:$0x0], $0xffff  }
0xd5: {  	v9 =	vld.idx.msk [tilespmem:v11+s13+$0x0], $0xffff;
	_ =	sdelay $0x3  }
0xd6: {  	v11 =	vor.u32 v1, v10;
	_ =	sdelay $0x1  }
0xd7: {  	v9 =	vadd.f32 v8, v9  }
0xd8: {  	s30 =	sadd.s32 $0x80, s30  }
0xd9: {  	[tilespmem:s30+$0xFFFFFFC0] =	vst v9  }
0xda: {  	v9 =	vld.idx.msk [tilespmem:v11+s13+$0x0], $0xffff;
	_ =	sdelay $0x3  }
0xdb: {  	v11 =	vor.u32 v2, v10;
	_ =	sdelay $0x1  }
0xdc: {  	v9 =	vadd.f32 v9, v8;
	_ =	sdelay $0x1  }
0xdd: {  	[tilespmem:s30+$0xFFFFFFD0] =	vst v9  }
0xde: {  	v9 =	vld.idx.msk [tilespmem:v11+s13+$0x0], $0xffff;
	_ =	sdelay $0x3  }
0xdf: {  	v11 =	vor.u32 v3, v10;
	_ =	sdelay $0x1  }
0xe0: {  	v9 =	vadd.f32 v9, v8;
	_ =	sdelay $0x1  }
0xe1: {  	[tilespmem:s30+$0xFFFFFFE0] =	vst v9  }
0xe2: {  	v9 =	vld.idx.msk [tilespmem:v11+s13+$0x0], $0xffff;
	_ =	sdelay $0x3  }
0xe3: {  	v11 =	vor.u32 v4, v10;
	_ =	sdelay $0x1  }
0xe4: {  	v9 =	vadd.f32 v9, v8;
	_ =	sdelay $0x1  }
0xe5: {  	[tilespmem:s30+$0xFFFFFFF0] =	vst v9  }
0xe6: {  	v9 =	vld.idx.msk [tilespmem:v11+s13+$0x0], $0xffff;
	_ =	sdelay $0x3  }
0xe7: {  	v11 =	vor.u32 v5, v10;
	_ =	sdelay $0x1  }
0xe8: {  	v9 =	vadd.f32 v9, v8;
	_ =	sdelay $0x1  }
0xe9: {  	[tilespmem:s30+$0x0] =	vst v9  }
0xea: {  	v9 =	vld.idx.msk [tilespmem:v11+s13+$0x0], $0xffff;
	_ =	sdelay $0x3  }
0xeb: {  	v11 =	vor.u32 v6, v10;
	_ =	sdelay $0x1  }
0xec: {  	v9 =	vadd.f32 v9, v8;
	_ =	sdelay $0x1  }
0xed: {  	[tilespmem:s30+$0x10] =	vst v9  }
0xee: {  	v9 =	vld.idx.msk [tilespmem:v11+s13+$0x0], $0xffff;
	_ =	sdelay $0x3  }
0xef: {  	v10 =	vor.u32 v7, v10;
	_ =	sdelay $0x1  }
.Ltmp3:
0xf0: {  	v9 =	vadd.f32 v9, v8;
	(pc) =	sbr.rel @p2 .LBB2_5-.Ltmp3, $4  }
0xf1: {  	_ = 	snop  }
0xf2: {  	[tilespmem:s30+$0x20] =	vst v9  }
0xf3: {  	v9 =	vld.idx.msk [tilespmem:v10+s13+$0x0], $0xffff  }
0xf4: {  	v10 =	vmov s0;
	s0 =	sadd.s32 $0x1, s0  }
0xf5: {  	v10 =	vand.u32 $0x3F, v10  }
0xf6: {  	v10 =	vbroadcast v10, $0x0;
	_ =	sdelay $0x1  }
0xf7: {  	v11 =	vor.u32 v0, v10  }
0xf8: {  	v8 =	vadd.f32 v9, v8;
	_ =	sdelay $0x1  }
0xf9: {  	s0 =	sadd.s32 $0x1, s14;
	[tilespmem:s30+$0x30] =	vst v8  }
0xfa: {  	v8 =	vld.msk [tilespmem:s0+$0x0 ss:$0x0], $0xffff  }
0xfb: {  	v9 =	vld.idx.msk [tilespmem:v11+s13+$0x0], $0xffff;
	_ =	sdelay $0x2  }
0xfc: {  	v11 =	vor.u32 v1, v10;
	_ =	sdelay $0x1  }
0xfd: {  	v9 =	vadd.f32 v8, v9  }
0xfe: {  	s0 =	sadd.s32 $0x80, s30  }
0xff: {  	[tilespmem:s0+$0xFFFFFFC0] =	vst v9  }
0x100: {  	v9 =	vld.idx.msk [tilespmem:v11+s13+$0x0], $0xffff;
	_ =	sdelay $0x2  }
0x101: {  	v11 =	vor.u32 v2, v10;
	_ =	sdelay $0x1  }
0x102: {  	v9 =	vadd.f32 v9, v8;
	_ =	sdelay $0x1  }
0x103: {  	[tilespmem:s0+$0xFFFFFFD0] =	vst v9  }
0x104: {  	v9 =	vld.idx.msk [tilespmem:v11+s13+$0x0], $0xffff;
	_ =	sdelay $0x2  }
0x105: {  	v11 =	vor.u32 v3, v10;
	_ =	sdelay $0x1  }
0x106: {  	v9 =	vadd.f32 v9, v8;
	_ =	sdelay $0x1  }
0x107: {  	[tilespmem:s0+$0xFFFFFFE0] =	vst v9  }
0x108: {  	v9 =	vld.idx.msk [tilespmem:v11+s13+$0x0], $0xffff;
	_ =	sdelay $0x2  }
0x109: {  	v11 =	vor.u32 v4, v10;
	_ =	sdelay $0x1  }
0x10a: {  	v9 =	vadd.f32 v9, v8;
	_ =	sdelay $0x1  }
0x10b: {  	[tilespmem:s0+$0xFFFFFFF0] =	vst v9  }
0x10c: {  	v9 =	vld.idx.msk [tilespmem:v11+s13+$0x0], $0xffff;
	_ =	sdelay $0x2  }
0x10d: {  	v11 =	vor.u32 v5, v10;
	_ =	sdelay $0x1  }
0x10e: {  	v9 =	vadd.f32 v9, v8;
	_ =	sdelay $0x1  }
0x10f: {  	[tilespmem:s0+$0x0] =	vst v9  }
0x110: {  	v9 =	vld.idx.msk [tilespmem:v11+s13+$0x0], $0xffff;
	_ =	sdelay $0x2  }
0x111: {  	v11 =	vor.u32 v6, v10;
	_ =	sdelay $0x1  }
0x112: {  	v9 =	vadd.f32 v9, v8;
	_ =	sdelay $0x1  }
0x113: {  	[tilespmem:s0+$0x10] =	vst v9  }
0x114: {  	v9 =	vld.idx.msk [tilespmem:v11+s13+$0x0], $0xffff;
	_ =	sdelay $0x2  }
0x115: {  	v10 =	vor.u32 v7, v10;
	_ =	sdelay $0x1  }
0x116: {  	v9 =	vadd.f32 v9, v8;
	_ =	sdelay $0x1  }
0x117: {  	[tilespmem:s0+$0x20] =	vst v9  }
0x118: {  	v9 =	vld.idx.msk [tilespmem:v10+s13+$0x0], $0xffff;
	_ =	sdelay $0x3  }
0x119: {  	s14 =	sshll.u32 s29, $0x12  }
0x11a: {  	s14 =	sor.u32 s7, s14;
	v8 =	vadd.f32 v9, v8  }
0x11b: {  	s14 =	sshrl.u32 s14, $0x3  }
0x11c: {  	s14 =	sadd.s32 s2, s14;
	[tilespmem:s0+$0x30] =	vst v8;
	s0 =	simm.s32 $0x0  }
0x11d: {  	[hbm4b:s14+s19] =	stream.strided.scatter [tilespmem:s23], [sflag:$0x6], $0x2000, s20, s19, $0x38;
	[tilespmem:$0x19610] =	vst v63  }
0x11e: {  	s29 =	simm.s32 @!p1 $0x80;
	s30 =	simm.s32 @!p1 $0xB610;
	s14 =	sadd.s32 @!p1 $0x280, s3;
	v8 =	vmov s0  }
0x11f: {  	v8 =	vand.u32 $0x3F, v8;
	[tilespmem:s30], [sflag:$0x2] =	stream.indirect.gather @!p1 [hbm4b:s4+s29], $0x40, s14, s29, $0xb8;
	[tilespmem:$0x19610] =	vst v63  }
0x120: {  	v9 =	vbroadcast v8, $0x0;
	_ =	swait.ge [sflag:s24], $0x2000  }
0x121: {  	[sflag:s24] =	ssyncset.done $0x0  }
0x122: {  	s0 =	simm.s32 @!p0 $0x7;
	v10 =	vor.u32 v0, v9;
	[sflag:s24] =	ssyncadd.s32 $0xFFFFE000  }
0x123: {  	_ =	swait.ge @!p0 [sflag:s0], $0x2000  }
0x124: {  	[sflag:s0] =	ssyncset.done @!p0 $0x0  }
0x125: {  	[sflag:s0] =	ssyncadd.s32 @!p0 $0xFFFFE000  }
0x126: {  	v8 =	vld.msk [tilespmem:s16+$0x0 ss:$0x0], $0xffff  }
0x127: {  	v10 =	vld.idx.msk [tilespmem:v10+s15+$0x0], $0xffff;
	_ =	sdelay $0x2  }
0x128: {  	v11 =	vor.u32 v1, v9;
	_ =	sdelay $0x1  }
0x129: {  	v10 =	vadd.f32 v8, v10  }
0x12a: {  	s30 =	simm.s32 $0x15650  }
0x12b: {  	[tilespmem:s30+$0xFFFFFFC0] =	vst v10  }
0x12c: {  	v10 =	vld.idx.msk [tilespmem:v11+s15+$0x0], $0xffff;
	_ =	sdelay $0x2  }
0x12d: {  	v11 =	vor.u32 v2, v9;
	_ =	sdelay $0x1  }
0x12e: {  	v10 =	vadd.f32 v10, v8;
	_ =	sdelay $0x1  }
0x12f: {  	[tilespmem:s30+$0xFFFFFFD0] =	vst v10  }
0x130: {  	v10 =	vld.idx.msk [tilespmem:v11+s15+$0x0], $0xffff;
	_ =	sdelay $0x2  }
0x131: {  	v11 =	vor.u32 v3, v9;
	_ =	sdelay $0x1  }
0x132: {  	v10 =	vadd.f32 v10, v8;
	_ =	sdelay $0x1  }
0x133: {  	[tilespmem:s30+$0xFFFFFFE0] =	vst v10  }
0x134: {  	v10 =	vld.idx.msk [tilespmem:v11+s15+$0x0], $0xffff;
	_ =	sdelay $0x2  }
0x135: {  	v11 =	vor.u32 v4, v9;
	_ =	sdelay $0x1  }
0x136: {  	v10 =	vadd.f32 v10, v8;
	_ =	sdelay $0x1  }
0x137: {  	[tilespmem:s30+$0xFFFFFFF0] =	vst v10  }
0x138: {  	v10 =	vld.idx.msk [tilespmem:v11+s15+$0x0], $0xffff;
	_ =	sdelay $0x2  }
0x139: {  	v11 =	vor.u32 v5, v9;
	_ =	sdelay $0x1  }
0x13a: {  	v10 =	vadd.f32 v10, v8;
	_ =	sdelay $0x1  }
0x13b: {  	[tilespmem:s30+$0x0] =	vst v10  }
0x13c: {  	v10 =	vld.idx.msk [tilespmem:v11+s15+$0x0], $0xffff;
	_ =	sdelay $0x2  }
0x13d: {  	v11 =	vor.u32 v6, v9;
	_ =	sdelay $0x1  }
0x13e: {  	v10 =	vadd.f32 v10, v8;
	_ =	sdelay $0x1  }
0x13f: {  	[tilespmem:s30+$0x10] =	vst v10  }
0x140: {  	v10 =	vld.idx.msk [tilespmem:v11+s15+$0x0], $0xffff;
	_ =	sdelay $0x2  }
0x141: {  	v9 =	vor.u32 v7, v9;
	_ =	sdelay $0x1  }
0x142: {  	v10 =	vadd.f32 v10, v8;
	_ =	sdelay $0x1  }
0x143: {  	s14 =	simm.s32 $0x1;
	[tilespmem:s30+$0x20] =	vst v10  }
0x144: {  	s29 =	sor.u32 $0x2, s8;
	s0 =	simm.s32 $0x2;
	v10 =	vmov s14;
	s14 =	smov.u32 s16;
	v9 =	vld.idx.msk [tilespmem:v9+s15+$0x0], $0xffff  }
.LBB2_7:
0x145: {  	p2 =	sne.s32 s0, $0x3F;
	v10 =	vand.u32 $0x3F, v10  }
0x146: {  	v10 =	vbroadcast v10, $0x0;
	_ =	sdelay $0x1  }
0x147: {  	v11 =	vor.u32 v0, v10  }
0x148: {  	v8 =	vadd.f32 v9, v8;
	_ =	sdelay $0x1  }
0x149: {  	s14 =	sadd.s32 $0x1, s14;
	[tilespmem:s30+$0x30] =	vst v8  }
0x14a: {  	v8 =	vld.msk [tilespmem:s14+$0x0 ss:$0x0], $0xffff  }
0x14b: {  	v9 =	vld.idx.msk [tilespmem:v11+s15+$0x0], $0xffff;
	_ =	sdelay $0x3  }
0x14c: {  	v11 =	vor.u32 v1, v10;
	_ =	sdelay $0x1  }
0x14d: {  	v9 =	vadd.f32 v8, v9  }
0x14e: {  	s30 =	sadd.s32 $0x80, s30  }
0x14f: {  	[tilespmem:s30+$0xFFFFFFC0] =	vst v9  }
0x150: {  	v9 =	vld.idx.msk [tilespmem:v11+s15+$0x0], $0xffff;
	_ =	sdelay $0x3  }
0x151: {  	v11 =	vor.u32 v2, v10;
	_ =	sdelay $0x1  }
0x152: {  	v9 =	vadd.f32 v9, v8;
	_ =	sdelay $0x1  }
0x153: {  	[tilespmem:s30+$0xFFFFFFD0] =	vst v9  }
0x154: {  	v9 =	vld.idx.msk [tilespmem:v11+s15+$0x0], $0xffff;
	_ =	sdelay $0x3  }
0x155: {  	v11 =	vor.u32 v3, v10;
	_ =	sdelay $0x1  }
0x156: {  	v9 =	vadd.f32 v9, v8;
	_ =	sdelay $0x1  }
0x157: {  	[tilespmem:s30+$0xFFFFFFE0] =	vst v9  }
0x158: {  	v9 =	vld.idx.msk [tilespmem:v11+s15+$0x0], $0xffff;
	_ =	sdelay $0x3  }
0x159: {  	v11 =	vor.u32 v4, v10;
	_ =	sdelay $0x1  }
0x15a: {  	v9 =	vadd.f32 v9, v8;
	_ =	sdelay $0x1  }
0x15b: {  	[tilespmem:s30+$0xFFFFFFF0] =	vst v9  }
0x15c: {  	v9 =	vld.idx.msk [tilespmem:v11+s15+$0x0], $0xffff;
	_ =	sdelay $0x3  }
0x15d: {  	v11 =	vor.u32 v5, v10;
	_ =	sdelay $0x1  }
0x15e: {  	v9 =	vadd.f32 v9, v8;
	_ =	sdelay $0x1  }
0x15f: {  	[tilespmem:s30+$0x0] =	vst v9  }
0x160: {  	v9 =	vld.idx.msk [tilespmem:v11+s15+$0x0], $0xffff;
	_ =	sdelay $0x3  }
0x161: {  	v11 =	vor.u32 v6, v10;
	_ =	sdelay $0x1  }
0x162: {  	v9 =	vadd.f32 v9, v8;
	_ =	sdelay $0x1  }
0x163: {  	[tilespmem:s30+$0x10] =	vst v9  }
0x164: {  	v9 =	vld.idx.msk [tilespmem:v11+s15+$0x0], $0xffff;
	_ =	sdelay $0x3  }
0x165: {  	v10 =	vor.u32 v7, v10;
	_ =	sdelay $0x1  }
.Ltmp4:
0x166: {  	v9 =	vadd.f32 v9, v8;
	(pc) =	sbr.rel @p2 .LBB2_7-.Ltmp4, $4  }
0x167: {  	_ = 	snop  }
0x168: {  	[tilespmem:s30+$0x20] =	vst v9  }
0x169: {  	v9 =	vld.idx.msk [tilespmem:v10+s15+$0x0], $0xffff  }
0x16a: {  	v10 =	vmov s0;
	s0 =	sadd.s32 $0x1, s0  }
0x16b: {  	v10 =	vand.u32 $0x3F, v10  }
0x16c: {  	v10 =	vbroadcast v10, $0x0;
	_ =	sdelay $0x1  }
0x16d: {  	v11 =	vor.u32 v0, v10  }
0x16e: {  	v8 =	vadd.f32 v9, v8;
	_ =	sdelay $0x1  }
0x16f: {  	s0 =	sadd.s32 $0x1, s14;
	[tilespmem:s30+$0x30] =	vst v8  }
0x170: {  	v8 =	vld.msk [tilespmem:s0+$0x0 ss:$0x0], $0xffff  }
0x171: {  	v9 =	vld.idx.msk [tilespmem:v11+s15+$0x0], $0xffff;
	_ =	sdelay $0x2  }
0x172: {  	v11 =	vor.u32 v1, v10;
	_ =	sdelay $0x1  }
0x173: {  	v9 =	vadd.f32 v8, v9  }
0x174: {  	s0 =	sadd.s32 $0x80, s30  }
0x175: {  	[tilespmem:s0+$0xFFFFFFC0] =	vst v9  }
0x176: {  	v9 =	vld.idx.msk [tilespmem:v11+s15+$0x0], $0xffff;
	_ =	sdelay $0x2  }
0x177: {  	v11 =	vor.u32 v2, v10;
	_ =	sdelay $0x1  }
0x178: {  	v9 =	vadd.f32 v9, v8;
	_ =	sdelay $0x1  }
0x179: {  	[tilespmem:s0+$0xFFFFFFD0] =	vst v9  }
0x17a: {  	v9 =	vld.idx.msk [tilespmem:v11+s15+$0x0], $0xffff;
	_ =	sdelay $0x2  }
0x17b: {  	v11 =	vor.u32 v3, v10;
	_ =	sdelay $0x1  }
0x17c: {  	v9 =	vadd.f32 v9, v8;
	_ =	sdelay $0x1  }
0x17d: {  	[tilespmem:s0+$0xFFFFFFE0] =	vst v9  }
0x17e: {  	v9 =	vld.idx.msk [tilespmem:v11+s15+$0x0], $0xffff;
	_ =	sdelay $0x2  }
0x17f: {  	v11 =	vor.u32 v4, v10;
	_ =	sdelay $0x1  }
0x180: {  	v9 =	vadd.f32 v9, v8;
	_ =	sdelay $0x1  }
0x181: {  	[tilespmem:s0+$0xFFFFFFF0] =	vst v9  }
0x182: {  	v9 =	vld.idx.msk [tilespmem:v11+s15+$0x0], $0xffff;
	_ =	sdelay $0x2  }
0x183: {  	v11 =	vor.u32 v5, v10;
	_ =	sdelay $0x1  }
0x184: {  	v9 =	vadd.f32 v9, v8;
	_ =	sdelay $0x1  }
0x185: {  	[tilespmem:s0+$0x0] =	vst v9  }
0x186: {  	v9 =	vld.idx.msk [tilespmem:v11+s15+$0x0], $0xffff;
	_ =	sdelay $0x2  }
0x187: {  	v11 =	vor.u32 v6, v10;
	_ =	sdelay $0x1  }
0x188: {  	v9 =	vadd.f32 v9, v8;
	_ =	sdelay $0x1  }
0x189: {  	[tilespmem:s0+$0x10] =	vst v9  }
0x18a: {  	v9 =	vld.idx.msk [tilespmem:v11+s15+$0x0], $0xffff;
	_ =	sdelay $0x2  }
0x18b: {  	v10 =	vor.u32 v7, v10;
	_ =	sdelay $0x1  }
0x18c: {  	v9 =	vadd.f32 v9, v8;
	_ =	sdelay $0x1  }
0x18d: {  	[tilespmem:s0+$0x20] =	vst v9  }
0x18e: {  	v9 =	vld.idx.msk [tilespmem:v10+s15+$0x0], $0xffff;
	_ =	sdelay $0x3  }
0x18f: {  	s30 =	sshll.u32 s29, $0x12  }
0x190: {  	s14 =	sor.u32 s7, s30;
	v8 =	vadd.f32 v9, v8  }
0x191: {  	s14 =	sshrl.u32 s14, $0x3  }
0x192: {  	s30 =	simm.s32 $0x0;
	s14 =	sadd.s32 s2, s14;
	[tilespmem:s0+$0x30] =	vst v8  }
0x193: {  	[hbm4b:s14+s19] =	stream.strided.scatter [tilespmem:s25], [sflag:$0x7], $0x2000, s20, s19, $0x38;
	[tilespmem:$0x19610] =	vst v63  }
0x194: {  	s3 =	sadd.s32 @!p1 $0x300, s3;
	s29 =	simm.s32 @!p1 $0xD610;
	v8 =	vmov s30;
	s14 =	simm.s32 @!p1 $0x80  }
0x195: {  	v8 =	vand.u32 $0x3F, v8;
	[tilespmem:s29], [sflag:$0x3] =	stream.indirect.gather @!p1 [hbm4b:s4+s14], $0x40, s3, s14, $0xb8;
	[tilespmem:$0x19610] =	vst v63  }
0x196: {  	v9 =	vbroadcast v8, $0x0;
	_ =	swait.ge [sflag:s26], $0x2000  }
0x197: {  	[sflag:s26] =	ssyncset.done $0x0  }
0x198: {  	s0 =	simm.s32 @!p0 $0x8;
	v10 =	vor.u32 v0, v9;
	[sflag:s26] =	ssyncadd.s32 $0xFFFFE000  }
0x199: {  	_ =	swait.ge @!p0 [sflag:s0], $0x2000  }
0x19a: {  	[sflag:s0] =	ssyncset.done @!p0 $0x0  }
0x19b: {  	[sflag:s0] =	ssyncadd.s32 @!p0 $0xFFFFE000  }
0x19c: {  	v8 =	vld.msk [tilespmem:s5+$0x0 ss:$0x0], $0xffff  }
0x19d: {  	v10 =	vld.idx.msk [tilespmem:v10+s17+$0x0], $0xffff;
	_ =	sdelay $0x2  }
0x19e: {  	v11 =	vor.u32 v1, v9;
	_ =	sdelay $0x1  }
0x19f: {  	v10 =	vadd.f32 v8, v10  }
0x1a0: {  	s29 =	simm.s32 $0x17650  }
0x1a1: {  	[tilespmem:s29+$0xFFFFFFC0] =	vst v10  }
0x1a2: {  	v10 =	vld.idx.msk [tilespmem:v11+s17+$0x0], $0xffff;
	_ =	sdelay $0x2  }
0x1a3: {  	v11 =	vor.u32 v2, v9;
	_ =	sdelay $0x1  }
0x1a4: {  	v10 =	vadd.f32 v10, v8;
	_ =	sdelay $0x1  }
0x1a5: {  	[tilespmem:s29+$0xFFFFFFD0] =	vst v10  }
0x1a6: {  	v10 =	vld.idx.msk [tilespmem:v11+s17+$0x0], $0xffff;
	_ =	sdelay $0x2  }
0x1a7: {  	v11 =	vor.u32 v3, v9;
	_ =	sdelay $0x1  }
0x1a8: {  	v10 =	vadd.f32 v10, v8;
	_ =	sdelay $0x1  }
0x1a9: {  	[tilespmem:s29+$0xFFFFFFE0] =	vst v10  }
0x1aa: {  	v10 =	vld.idx.msk [tilespmem:v11+s17+$0x0], $0xffff;
	_ =	sdelay $0x2  }
0x1ab: {  	v11 =	vor.u32 v4, v9;
	_ =	sdelay $0x1  }
0x1ac: {  	v10 =	vadd.f32 v10, v8;
	_ =	sdelay $0x1  }
0x1ad: {  	[tilespmem:s29+$0xFFFFFFF0] =	vst v10  }
0x1ae: {  	v10 =	vld.idx.msk [tilespmem:v11+s17+$0x0], $0xffff;
	_ =	sdelay $0x2  }
0x1af: {  	v11 =	vor.u32 v5, v9;
	_ =	sdelay $0x1  }
0x1b0: {  	v10 =	vadd.f32 v10, v8;
	_ =	sdelay $0x1  }
0x1b1: {  	[tilespmem:s29+$0x0] =	vst v10  }
0x1b2: {  	v10 =	vld.idx.msk [tilespmem:v11+s17+$0x0], $0xffff;
	_ =	sdelay $0x2  }
0x1b3: {  	v11 =	vor.u32 v6, v9;
	_ =	sdelay $0x1  }
0x1b4: {  	v10 =	vadd.f32 v10, v8;
	_ =	sdelay $0x1  }
0x1b5: {  	[tilespmem:s29+$0x10] =	vst v10  }
0x1b6: {  	v10 =	vld.idx.msk [tilespmem:v11+s17+$0x0], $0xffff;
	_ =	sdelay $0x2  }
0x1b7: {  	v9 =	vor.u32 v7, v9;
	_ =	sdelay $0x1  }
0x1b8: {  	v10 =	vadd.f32 v10, v8;
	_ =	sdelay $0x1  }
0x1b9: {  	s30 =	simm.s32 $0x1;
	[tilespmem:s29+$0x20] =	vst v10  }
0x1ba: {  	s3 =	sor.u32 $0x3, s8;
	s8 =	smov.u32 s5;
	s0 =	simm.s32 $0x2;
	v10 =	vmov s30;
	v9 =	vld.idx.msk [tilespmem:v9+s17+$0x0], $0xffff  }
.LBB2_9:
0x1bb: {  	p0 =	sne.s32 s0, $0x3F;
	v10 =	vand.u32 $0x3F, v10  }
0x1bc: {  	v10 =	vbroadcast v10, $0x0;
	_ =	sdelay $0x1  }
0x1bd: {  	v11 =	vor.u32 v0, v10  }
0x1be: {  	v8 =	vadd.f32 v9, v8;
	_ =	sdelay $0x1  }
0x1bf: {  	s8 =	sadd.s32 $0x1, s8;
	[tilespmem:s29+$0x30] =	vst v8  }
0x1c0: {  	v8 =	vld.msk [tilespmem:s8+$0x0 ss:$0x0], $0xffff  }
0x1c1: {  	v9 =	vld.idx.msk [tilespmem:v11+s17+$0x0], $0xffff;
	_ =	sdelay $0x3  }
0x1c2: {  	v11 =	vor.u32 v1, v10;
	_ =	sdelay $0x1  }
0x1c3: {  	v9 =	vadd.f32 v8, v9  }
0x1c4: {  	s29 =	sadd.s32 $0x80, s29  }
0x1c5: {  	[tilespmem:s29+$0xFFFFFFC0] =	vst v9  }
0x1c6: {  	v9 =	vld.idx.msk [tilespmem:v11+s17+$0x0], $0xffff;
	_ =	sdelay $0x3  }
0x1c7: {  	v11 =	vor.u32 v2, v10;
	_ =	sdelay $0x1  }
0x1c8: {  	v9 =	vadd.f32 v9, v8;
	_ =	sdelay $0x1  }
0x1c9: {  	[tilespmem:s29+$0xFFFFFFD0] =	vst v9  }
0x1ca: {  	v9 =	vld.idx.msk [tilespmem:v11+s17+$0x0], $0xffff;
	_ =	sdelay $0x3  }
0x1cb: {  	v11 =	vor.u32 v3, v10;
	_ =	sdelay $0x1  }
0x1cc: {  	v9 =	vadd.f32 v9, v8;
	_ =	sdelay $0x1  }
0x1cd: {  	[tilespmem:s29+$0xFFFFFFE0] =	vst v9  }
0x1ce: {  	v9 =	vld.idx.msk [tilespmem:v11+s17+$0x0], $0xffff;
	_ =	sdelay $0x3  }
0x1cf: {  	v11 =	vor.u32 v4, v10;
	_ =	sdelay $0x1  }
0x1d0: {  	v9 =	vadd.f32 v9, v8;
	_ =	sdelay $0x1  }
0x1d1: {  	[tilespmem:s29+$0xFFFFFFF0] =	vst v9  }
0x1d2: {  	v9 =	vld.idx.msk [tilespmem:v11+s17+$0x0], $0xffff;
	_ =	sdelay $0x3  }
0x1d3: {  	v11 =	vor.u32 v5, v10;
	_ =	sdelay $0x1  }
0x1d4: {  	v9 =	vadd.f32 v9, v8;
	_ =	sdelay $0x1  }
0x1d5: {  	[tilespmem:s29+$0x0] =	vst v9  }
0x1d6: {  	v9 =	vld.idx.msk [tilespmem:v11+s17+$0x0], $0xffff;
	_ =	sdelay $0x3  }
0x1d7: {  	v11 =	vor.u32 v6, v10;
	_ =	sdelay $0x1  }
0x1d8: {  	v9 =	vadd.f32 v9, v8;
	_ =	sdelay $0x1  }
0x1d9: {  	[tilespmem:s29+$0x10] =	vst v9  }
0x1da: {  	v9 =	vld.idx.msk [tilespmem:v11+s17+$0x0], $0xffff;
	_ =	sdelay $0x3  }
0x1db: {  	v10 =	vor.u32 v7, v10;
	_ =	sdelay $0x1  }
.Ltmp5:
0x1dc: {  	v9 =	vadd.f32 v9, v8;
	(pc) =	sbr.rel @p0 .LBB2_9-.Ltmp5, $4  }
0x1dd: {  	_ = 	snop  }
0x1de: {  	[tilespmem:s29+$0x20] =	vst v9  }
0x1df: {  	v9 =	vld.idx.msk [tilespmem:v10+s17+$0x0], $0xffff  }
0x1e0: {  	v10 =	vmov s0;
	s0 =	sadd.s32 $0x1, s0  }
0x1e1: {  	v10 =	vand.u32 $0x3F, v10  }
0x1e2: {  	v10 =	vbroadcast v10, $0x0;
	_ =	sdelay $0x1  }
0x1e3: {  	v11 =	vor.u32 v0, v10  }
0x1e4: {  	v8 =	vadd.f32 v9, v8;
	_ =	sdelay $0x1  }
0x1e5: {  	s0 =	sadd.s32 $0x1, s8;
	[tilespmem:s29+$0x30] =	vst v8  }
0x1e6: {  	v8 =	vld.msk [tilespmem:s0+$0x0 ss:$0x0], $0xffff  }
0x1e7: {  	v57 =	vld.idx.msk [tilespmem:v11+s17+$0x0], $0xffff;
	_ =	sdelay $0x2  }
0x1e8: {  	v58 =	vor.u32 v1, v10;
	_ =	sdelay $0x1  }
0x1e9: {  	v9 =	vadd.f32 v8, v57  }
0x1ea: {  	s29 =	sadd.s32 $0x80, s29  }
0x1eb: {  	[tilespmem:s29+$0xFFFFFFC0] =	vst v9  }
0x1ec: {  	v9 =	vld.idx.msk [tilespmem:v58+s17+$0x0], $0xffff;
	_ =	sdelay $0x2  }
0x1ed: {  	v59 =	vor.u32 v2, v10;
	_ =	sdelay $0x1  }
0x1ee: {  	v9 =	vadd.f32 v9, v8;
	_ =	sdelay $0x1  }
0x1ef: {  	[tilespmem:s29+$0xFFFFFFD0] =	vst v9  }
0x1f0: {  	v9 =	vld.idx.msk [tilespmem:v59+s17+$0x0], $0xffff;
	_ =	sdelay $0x2  }
0x1f1: {  	v60 =	vor.u32 v3, v10;
	_ =	sdelay $0x1  }
0x1f2: {  	v9 =	vadd.f32 v9, v8;
	_ =	sdelay $0x1  }
0x1f3: {  	[tilespmem:s29+$0xFFFFFFE0] =	vst v9  }
0x1f4: {  	v9 =	vld.idx.msk [tilespmem:v60+s17+$0x0], $0xffff;
	_ =	sdelay $0x2  }
0x1f5: {  	v61 =	vor.u32 v4, v10;
	_ =	sdelay $0x1  }
0x1f6: {  	v9 =	vadd.f32 v9, v8;
	_ =	sdelay $0x1  }
0x1f7: {  	[tilespmem:s29+$0xFFFFFFF0] =	vst v9  }
0x1f8: {  	v9 =	vld.idx.msk [tilespmem:v61+s17+$0x0], $0xffff;
	_ =	sdelay $0x2  }
0x1f9: {  	v62 =	vor.u32 v5, v10;
	_ =	sdelay $0x1  }
0x1fa: {  	v9 =	vadd.f32 v9, v8;
	_ =	sdelay $0x1  }
0x1fb: {  	[tilespmem:s29+$0x0] =	vst v9  }
0x1fc: {  	v9 =	vld.idx.msk [tilespmem:v62+s17+$0x0], $0xffff;
	_ =	sdelay $0x2  }
0x1fd: {  	v63 =	vor.u32 v6, v10;
	_ =	sdelay $0x1  }
0x1fe: {  	v9 =	vadd.f32 v9, v8;
	_ =	sdelay $0x1  }
0x1ff: {  	[tilespmem:s29+$0x10] =	vst v9  }
0x200: {  	v9 =	vld.idx.msk [tilespmem:v63+s17+$0x0], $0xffff;
	_ =	sdelay $0x2  }
0x201: {  	v10 =	vor.u32 v7, v10;
	_ =	sdelay $0x1  }
0x202: {  	v9 =	vadd.f32 v9, v8;
	_ =	sdelay $0x1  }
0x203: {  	[tilespmem:s29+$0x20] =	vst v9  }
0x204: {  	v9 =	vld.idx.msk [tilespmem:v10+s17+$0x0], $0xffff;
	_ =	sdelay $0x3  }
.Ltmp6:
0x205: {  	s3 =	sshll.u32 s3, $0x12;
	(pc) =	sbr.rel @p1 .LBB2_12-.Ltmp6, $4  }
0x206: {  	s3 =	sor.u32 s7, s3;
	v8 =	vadd.f32 v9, v8  }
0x207: {  	s3 =	sshrl.u32 s3, $0x3  }
0x208: {  	s30 =	sadd.s32 s2, s3;
	[tilespmem:s29+$0x30] =	vst v8  }
0x209: {  	[hbm4b:s30+s19] =	stream.strided.scatter [tilespmem:s28], [sflag:$0x8], $0x2000, s20, s19, $0x38;
	[tilespmem:$0x19610] =	vst v63  }
.Ltmp7:
0x20a: {  	(pc) =	sbr.rel .LBB2_2-.Ltmp7, $4  }
0x20b: {  	s0 =	sshll.u32 s6, $0x9;
	s6 =	sadd.s32 $0x1, s6  }
0x20c: {  	s10 =	sadd.s32 $0x100, s10;
	s31 =	sadd.s32 $0x100, s31;
	s0 =	sand.u32 $0x3FFFFE00, s0  }
0x20d: {  	s16 =	sadd.s32 $0x100, s16;
	s5 =	sadd.s32 $0x100, s5;
	s0 =	sadd.s32 $0x380, s0  }
0x20e: {  	[tilespmem:s17], [sflag:$0x4] =	stream.indirect.gather [hbm4b:s4+s9], $0x40, s0, s9, $0xb8;
	[tilespmem:$0x19610] =	vst v63  }
.LBB2_13:
0x20f: {  	_ =	sfence.sel $0x180000  }
0x210: {  	[bflag:$0x0] =	sbarrier.arrive $0xFFFF  }
0x211: {  	_ =	strace $0x90000047  }
0x212: {  	s0 =	stileid.u32;
	[bflag:$0x2] =	sbarrier.arrive $0xFFFF  }
0x213: {  	p0 =	sne.s32 s0, $0x0;
	s0 =	rddreg [dreg:$0x2]  }
0x214: {  	s0 =	sadd.s32 @!p0 $0x100000, s0  }
0x215: {  	[sflag:s0] =	ssyncadd.tile.s32 @!p0 $0x1;
	_ =	shalt  }
.Lfunc_end2:
_tile_overlayer_lowered:
.L_overlay_start_2:
0x216: {  	(tag) =	ssettag $0x2  }
0x217: {  	s0 =	rddreg [dreg:$0x0];
	s2 =	stileid.u32  }
0x218: {  	s1 =	rddreg [dreg:$0x1];
	p0 =	sne.s32 s2, $0x0  }
0x219: {  	s3 =	rddreg [dreg:$0x2];
	[bflag:$0x3] =	sbarrier.arrive $0xFFFF;
	s2 =	simm.s32 @!p0 $0x1C09  }
0x21a: {  	[timem:s3], [sflag:s2] =	dma.local @!p0 [hbm:s0], s1  }
0x21b: {  	s0 =	simm.s32 @!p0 $0x9  }
0x21c: {  	_ =	swait.ge @!p0 [sflag:s0], s1  }
0x21d: {  	s1 =	ssub.s32 @!p0 $0x0, s1;
	[sflag:s0] =	ssyncset.done @!p0 $0x0  }
0x21e: {  	[sflag:s0] =	ssyncadd.s32 @!p0 s1  }
0x21f: {  	[bflag:$0x3] =	sbarrier.arrive $0xFFFF  }
0x220: {  	_ =	shalt  }

</sc_bundles>
